<compile_context>
chip_gen: v7x
topology: tpu7x:2x2x1
jax: 0.10.2.dev20260603
libtpu: 0.0.44.dev20260713+nightly
codegen_flags: <defaults>
</compile_context>

<pallas_src>
import jax
import jax.numpy as jnp
from jax import lax
from jax.experimental import pallas as pl
from jax.experimental.pallas import tpu as pltpu
from jax.experimental.pallas import tpu_sc as plsc

B = 16
L = 2048
N = 16384
D = 512

NC = 2
NS = 16
NW = NC * NS
IN_PER_W = N // NW
CH = 32
CHUNKS = IN_PER_W // CH
NBUF = 7
GDEPTH = 3

_mesh = plsc.VectorSubcoreMesh(
    core_axis_name="c", subcore_axis_name="s", num_cores=NC
)


def _zeros_kernel(o_ref):
    o_ref[...] = jnp.zeros_like(o_ref)


_ZBLOCKS = 16


def _zeros_tc():
    return pl.pallas_call(
        _zeros_kernel,
        out_shape=jax.ShapeDtypeStruct((B * L, D), jnp.float32),
        grid=(_ZBLOCKS,),
        out_specs=pl.BlockSpec((B * L // _ZBLOCKS, D), lambda i: (i, 0)),
    )()


@jax.jit
def _run(feature, sample_offsets, batch_index):
    out0 = _zeros_tc()

    def stateful(refs):
        feat_hbm, off_hbm, bidx_hbm, out_hbm = refs

        @pl.core_map(
            _mesh,
            scratch_shapes=[
                [pltpu.VMEM((CH, D), jnp.float32) for _ in range(NBUF)],
                pltpu.VMEM((IN_PER_W,), jnp.int32),
                pltpu.VMEM((IN_PER_W,), jnp.int32),
                pltpu.VMEM((CHUNKS, CH), jnp.int32),
                [pltpu.SemaphoreType.DMA for _ in range(NBUF)],
                [pltpu.SemaphoreType.DMA for _ in range(NBUF)],
            ],
        )
        def _(rbufs, offf, bvf, dstv, gsems, ssems):
            wid = lax.axis_index("c") * NS + lax.axis_index("s")
            ibase = wid * IN_PER_W

            gathers = [None] * CHUNKS
            for ch in range(min(GDEPTH, CHUNKS)):
                gathers[ch] = pltpu.async_copy(
                    feat_hbm.at[pl.ds(ibase + ch * CH, CH)],
                    rbufs[ch % NBUF],
                    gsems[ch % NBUF],
                )

            pltpu.sync_copy(off_hbm.at[pl.ds(ibase, IN_PER_W)], offf)
            pltpu.sync_copy(bidx_hbm.at[pl.ds(ibase, IN_PER_W)], bvf)

            for ch in range(CHUNKS):
                @pl.loop(0, CH, step=16)
                def _(j, ch=ch):
                    s = pl.ds(ch * CH + j, 16)
                    dstv[ch, pl.ds(j, 16)] = bvf[s] * L + offf[s]

            scatters = [None] * CHUNKS
            for ch in range(CHUNKS):
                gathers[ch].wait()
                scatters[ch] = pltpu.async_copy(
                    rbufs[ch % NBUF], out_hbm.at[dstv.at[ch]], ssems[ch % NBUF]
                )
                nx = ch + GDEPTH
                if nx < CHUNKS:
                    if scatters[nx - NBUF] is not None:
                        scatters[nx - NBUF].wait()
                    gathers[nx] = pltpu.async_copy(
                        feat_hbm.at[pl.ds(ibase + nx * CH, CH)],
                        rbufs[nx % NBUF],
                        gsems[nx % NBUF],
                    )
            for ch in range(CHUNKS):
                if ch + NBUF >= CHUNKS:
                    scatters[ch].wait()

    _, _, _, out = pl.run_state(
        stateful)((feature, sample_offsets, batch_index, out0))
    return out.reshape(B, L, D)


def kernel(feature, sample_offsets, batch_index):
    return _run(feature, sample_offsets, batch_index)

# --- scband reference (transcript-rebuilt; emitter-appended) ---
"""Pipeline reference for scband-scatter-feature-pack-26336739459367 (READ-ONLY COPY).

The authoritative reference and input builder live on the scoring server;
editing this copy changes nothing except your own understanding.
"""

import jax, jax.numpy as jnp
import numpy as np

B = 16
L = 2048
N = 16384
D = 512

def setup_inputs(seed: int = 0) -> dict:
    key = jax.random.key(seed)
    k1, k2 = jax.random.split(key)
    feature = jax.random.normal(k1, (N, D), dtype=jnp.float32)
    # Unique (batch, offset) destinations so the scatter-overwrite is deterministic,
    # mirroring typical packing semantics of scatter_feature (one slot per token).
    flat = jax.random.permutation(k2, B * L)[:N]
    batch_index = (flat // L).astype(jnp.int32)
    sample_offsets = (flat % L).astype(jnp.int32)
    return {"feature": feature, "sample_offsets": sample_offsets, "batch_index": batch_index}

def reference(feature, sample_offsets, batch_index):
    # scatter_feature: pack flat per-token features into a dense [B, L, D] buffer.
    # out[batch_index[i], sample_offsets[i], :] = feature[i, :]
    out = jnp.zeros((B, L, feature.shape[1]), dtype=feature.dtype)
    out = out.at[batch_index, sample_offsets].set(feature)
    return out

if __name__ == "__main__":
    import jax
    _d = setup_inputs()
    print(jax.jit(kernel)(*tuple(_d.values())))

</pallas_src>

<mosaic_0001>
#map = affine_map<(d0, d1) -> (0, 0)>
#map1 = affine_map<(d0, d1) -> (0)>
module attributes {stable_mosaic.version = 14 : i64} {
  func.func @_(%arg0: i32, %arg1: i32, %arg2: memref<16384x512xf32, #tpu.memory_space<hbm>>, %arg3: memref<16384xi32, #tpu.memory_space<hbm>>, %arg4: memref<16384xi32, #tpu.memory_space<hbm>>, %arg5: memref<32768x512xf32, #tpu.memory_space<hbm>>, %arg6: memref<32768x512xf32, #tpu.memory_space<hbm>>, %arg7: memref<32x512xf32, #tpu.memory_space<vmem>>, %arg8: memref<32x512xf32, #tpu.memory_space<vmem>>, %arg9: memref<32x512xf32, #tpu.memory_space<vmem>>, %arg10: memref<32x512xf32, #tpu.memory_space<vmem>>, %arg11: memref<32x512xf32, #tpu.memory_space<vmem>>, %arg12: memref<32x512xf32, #tpu.memory_space<vmem>>, %arg13: memref<32x512xf32, #tpu.memory_space<vmem>>, %arg14: memref<512xi32, #tpu.memory_space<vmem>>, %arg15: memref<512xi32, #tpu.memory_space<vmem>>, %arg16: memref<16x32xi32, #tpu.memory_space<vmem>>, %arg17: memref<!tpu.dma_semaphore, #tpu.memory_space<semaphore_mem>>, %arg18: memref<!tpu.dma_semaphore, #tpu.memory_space<semaphore_mem>>, %arg19: memref<!tpu.dma_semaphore, #tpu.memory_space<semaphore_mem>>, %arg20: memref<!tpu.dma_semaphore, #tpu.memory_space<semaphore_mem>>, %arg21: memref<!tpu.dma_semaphore, #tpu.memory_space<semaphore_mem>>, %arg22: memref<!tpu.dma_semaphore, #tpu.memory_space<semaphore_mem>>, %arg23: memref<!tpu.dma_semaphore, #tpu.memory_space<semaphore_mem>>, %arg24: memref<!tpu.dma_semaphore, #tpu.memory_space<semaphore_mem>>, %arg25: memref<!tpu.dma_semaphore, #tpu.memory_space<semaphore_mem>>, %arg26: memref<!tpu.dma_semaphore, #tpu.memory_space<semaphore_mem>>, %arg27: memref<!tpu.dma_semaphore, #tpu.memory_space<semaphore_mem>>, %arg28: memref<!tpu.dma_semaphore, #tpu.memory_space<semaphore_mem>>, %arg29: memref<!tpu.dma_semaphore, #tpu.memory_space<semaphore_mem>>, %arg30: memref<!tpu.dma_semaphore, #tpu.memory_space<semaphore_mem>>) attributes {dimension_semantics = [#tpu.dimension_semantics<core_parallel>, #tpu.dimension_semantics<subcore_parallel>], iteration_bounds = array<i64: 2, 16>, scalar_prefetch = 0 : i64, scratch_operands = 24 : i64, tpu.core_type = #tpu.core_type<sc_vector_subcore>, window_params = [{transform_indices = #map}, {transform_indices = #map1}, {transform_indices = #map1}, {transform_indices = #map}, {transform_indices = #map}]} {
    %mul3A = arith.constant 16 : i32
    %mul3A_0 = arith.muli %arg0, %mul3A : i32
    %add3A = arith.addi %mul3A_0, %arg1 : i32
    %mul3A_1 = arith.constant 512 : i32
    %mul3A_2 = arith.muli %add3A, %mul3A_1 : i32
    %add3A_3 = arith.constant 0 : i32
    %add3A_4 = arith.addi %mul3A_2, %add3A_3 : i32
    %dma_start3A = arith.constant 0 : i32
    %dma_start3A_5 = tpu.memref_slice %arg2[%add3A_4, %dma_start3A] : memref<16384x512xf32, #tpu.memory_space<hbm>> -> memref<32x512xf32, #tpu.memory_space<hbm>>
    %dma_start3A_6 = arith.constant 0 : i32
    %dma_start3A_7 = tpu.memref_slice %arg2[%add3A_4, %dma_start3A_6] : memref<16384x512xf32, #tpu.memory_space<hbm>> -> memref<32x512xf32, #tpu.memory_space<hbm>>
    tpu.enqueue_dma source(%dma_start3A_7 : memref<32x512xf32, #tpu.memory_space<hbm>>) target(%arg7 : memref<32x512xf32, #tpu.memory_space<vmem>>) target_semaphore(%arg17 : memref<!tpu.dma_semaphore, #tpu.memory_space<semaphore_mem>>)
    %add3A_8 = arith.constant 32 : i32
    %add3A_9 = arith.addi %mul3A_2, %add3A_8 : i32
    %dma_start3A_10 = arith.constant 0 : i32
    %dma_start3A_11 = tpu.memref_slice %arg2[%add3A_9, %dma_start3A_10] : memref<16384x512xf32, #tpu.memory_space<hbm>> -> memref<32x512xf32, #tpu.memory_space<hbm>>
    %dma_start3A_12 = arith.constant 0 : i32
    %dma_start3A_13 = tpu.memref_slice %arg2[%add3A_9, %dma_start3A_12] : memref<16384x512xf32, #tpu.memory_space<hbm>> -> memref<32x512xf32, #tpu.memory_space<hbm>>
    tpu.enqueue_dma source(%dma_start3A_13 : memref<32x512xf32, #tpu.memory_space<hbm>>) target(%arg8 : memref<32x512xf32, #tpu.memory_space<vmem>>) target_semaphore(%arg18 : memref<!tpu.dma_semaphore, #tpu.memory_space<semaphore_mem>>)
    %add3A_14 = arith.constant 64 : i32
    %add3A_15 = arith.addi %mul3A_2, %add3A_14 : i32
    %dma_start3A_16 = arith.constant 0 : i32
    %dma_start3A_17 = tpu.memref_slice %arg2[%add3A_15, %dma_start3A_16] : memref<16384x512xf32, #tpu.memory_space<hbm>> -> memref<32x512xf32, #tpu.memory_space<hbm>>
    %dma_start3A_18 = arith.constant 0 : i32
    %dma_start3A_19 = tpu.memref_slice %arg2[%add3A_15, %dma_start3A_18] : memref<16384x512xf32, #tpu.memory_space<hbm>> -> memref<32x512xf32, #tpu.memory_space<hbm>>
    tpu.enqueue_dma source(%dma_start3A_19 : memref<32x512xf32, #tpu.memory_space<hbm>>) target(%arg9 : memref<32x512xf32, #tpu.memory_space<vmem>>) target_semaphore(%arg19 : memref<!tpu.dma_semaphore, #tpu.memory_space<semaphore_mem>>)
    "tpu.region"() ({
      %run_scoped3A = tpu.sem_alloc : memref<!tpu.dma_semaphore, #tpu.memory_space<semaphore_mem>>
      %dma_start3A_464 = tpu.memref_slice %arg3[%mul3A_2] : memref<16384xi32, #tpu.memory_space<hbm>> -> memref<512xi32, #tpu.memory_space<hbm>>
      %dma_start3A_465 = tpu.memref_slice %arg3[%mul3A_2] : memref<16384xi32, #tpu.memory_space<hbm>> -> memref<512xi32, #tpu.memory_space<hbm>>
      tpu.enqueue_dma source(%dma_start3A_465 : memref<512xi32, #tpu.memory_space<hbm>>) target(%arg14 : memref<512xi32, #tpu.memory_space<vmem>>) target_semaphore(%run_scoped3A : memref<!tpu.dma_semaphore, #tpu.memory_space<semaphore_mem>>)
      %dma_wait3A_466 = tpu.memref_slice %arg3[%mul3A_2] : memref<16384xi32, #tpu.memory_space<hbm>> -> memref<512xi32, #tpu.memory_space<hbm>>
      %dma_wait3A_467 = tpu.memref_slice %arg3[%mul3A_2] : memref<16384xi32, #tpu.memory_space<hbm>> -> memref<512xi32, #tpu.memory_space<hbm>>
      tpu.wait_dma2 semaphore(%run_scoped3A : memref<!tpu.dma_semaphore, #tpu.memory_space<semaphore_mem>>) src(%dma_wait3A_467 : memref<512xi32, #tpu.memory_space<hbm>>) dst(%arg14 : memref<512xi32, #tpu.memory_space<vmem>>)
      tpu.yield
    }) : () -> ()
    "tpu.region"() ({
      %run_scoped3A = tpu.sem_alloc : memref<!tpu.dma_semaphore, #tpu.memory_space<semaphore_mem>>
      %dma_start3A_464 = tpu.memref_slice %arg4[%mul3A_2] : memref<16384xi32, #tpu.memory_space<hbm>> -> memref<512xi32, #tpu.memory_space<hbm>>
      %dma_start3A_465 = tpu.memref_slice %arg4[%mul3A_2] : memref<16384xi32, #tpu.memory_space<hbm>> -> memref<512xi32, #tpu.memory_space<hbm>>
      tpu.enqueue_dma source(%dma_start3A_465 : memref<512xi32, #tpu.memory_space<hbm>>) target(%arg15 : memref<512xi32, #tpu.memory_space<vmem>>) target_semaphore(%run_scoped3A : memref<!tpu.dma_semaphore, #tpu.memory_space<semaphore_mem>>)
      %dma_wait3A_466 = tpu.memref_slice %arg4[%mul3A_2] : memref<16384xi32, #tpu.memory_space<hbm>> -> memref<512xi32, #tpu.memory_space<hbm>>
      %dma_wait3A_467 = tpu.memref_slice %arg4[%mul3A_2] : memref<16384xi32, #tpu.memory_space<hbm>> -> memref<512xi32, #tpu.memory_space<hbm>>
      tpu.wait_dma2 semaphore(%run_scoped3A : memref<!tpu.dma_semaphore, #tpu.memory_space<semaphore_mem>>) src(%dma_wait3A_467 : memref<512xi32, #tpu.memory_space<hbm>>) dst(%arg15 : memref<512xi32, #tpu.memory_space<vmem>>)
      tpu.yield
    }) : () -> ()
    %scan3A = arith.constant 0 : i32
    %scan3A_20 = arith.constant 2 : i32
    %scan3A_21 = arith.addi %scan3A, %scan3A_20 : i32
    %scan3A_22 = arith.constant 1 : i32
    scf.for %scan3A_464 = %scan3A to %scan3A_21 step %scan3A_22  : i32 {
      %mul3A_465 = arith.constant 16 : i32
      %mul3A_466 = arith.muli %scan3A_464, %mul3A_465 : i32
      %add3A_467 = arith.constant 0 : i32
      %add3A_468 = arith.addi %add3A_467, %mul3A_466 : i32
      %add3A_469 = arith.constant 0 : i32
      %add3A_470 = arith.addi %add3A_469, %add3A_468 : i32
      %get3A = arith.index_cast %add3A_470 : i32 to index
      %get3A_471 = tpu.vector_load %arg15[%get3A] {strides = array<i32>} : memref<512xi32, #tpu.memory_space<vmem>>, vector<16xi32>,
      %get3A_472 = vector.shape_cast %get3A_471 : vector<16xi32> to vector<16xi32>
      %mul3A_473 = arith.constant 2048 : i32
      %mul3A_474 = vector.broadcast %mul3A_473 : i32 to vector<16xi32>
      %mul3A_475 = arith.muli %get3A_472, %mul3A_474 : vector<16xi32>
      %get3A_476 = arith.index_cast %add3A_470 : i32 to index
      %get3A_477 = tpu.vector_load %arg14[%get3A_476] {strides = array<i32>} : memref<512xi32, #tpu.memory_space<vmem>>, vector<16xi32>,
      %get3A_478 = vector.shape_cast %get3A_477 : vector<16xi32> to vector<16xi32>
      %add3A_479 = arith.addi %mul3A_475, %get3A_478 : vector<16xi32>
      %swap3A = arith.constant 0 : i32
      %swap3A_480 = arith.index_cast %swap3A : i32 to index
      %swap3A_481 = arith.index_cast %add3A_468 : i32 to index
      %swap3A_482 = tpu.vector_load %arg16[%swap3A_480, %swap3A_481] {strides = array<i32>} : memref<16x32xi32, #tpu.memory_space<vmem>>, vector<1x16xi32>,
      %swap3A_483 = vector.shape_cast %swap3A_482 : vector<1x16xi32> to vector<16xi32>
      %swap3A_484 = vector.shape_cast %add3A_479 : vector<16xi32> to vector<1x16xi32>
      tpu.vector_store %arg16[%swap3A_480, %swap3A_481], %swap3A_484 {strides = array<i32>} : memref<16x32xi32, #tpu.memory_space<vmem>>, vector<1x16xi32>,
    }
    %scan3A_23 = arith.constant 2 : i32
    %scan3A_24 = arith.constant 0 : i32
    %scan3A_25 = arith.constant 2 : i32
    %scan3A_26 = arith.addi %scan3A_24, %scan3A_25 : i32
    %scan3A_27 = arith.constant 1 : i32
    scf.for %scan3A_464 = %scan3A_24 to %scan3A_26 step %scan3A_27  : i32 {
      %mul3A_465 = arith.constant 16 : i32
      %mul3A_466 = arith.muli %scan3A_464, %mul3A_465 : i32
      %add3A_467 = arith.constant 0 : i32
      %add3A_468 = arith.addi %add3A_467, %mul3A_466 : i32
      %add3A_469 = arith.constant 32 : i32
      %add3A_470 = arith.addi %add3A_469, %add3A_468 : i32
      %get3A = arith.index_cast %add3A_470 : i32 to index
      %get3A_471 = tpu.vector_load %arg15[%get3A] {strides = array<i32>} : memref<512xi32, #tpu.memory_space<vmem>>, vector<16xi32>,
      %get3A_472 = vector.shape_cast %get3A_471 : vector<16xi32> to vector<16xi32>
      %mul3A_473 = arith.constant 2048 : i32
      %mul3A_474 = vector.broadcast %mul3A_473 : i32 to vector<16xi32>
      %mul3A_475 = arith.muli %get3A_472, %mul3A_474 : vector<16xi32>
      %get3A_476 = arith.index_cast %add3A_470 : i32 to index
      %get3A_477 = tpu.vector_load %arg14[%get3A_476] {strides = array<i32>} : memref<512xi32, #tpu.memory_space<vmem>>, vector<16xi32>,
      %get3A_478 = vector.shape_cast %get3A_477 : vector<16xi32> to vector<16xi32>
      %add3A_479 = arith.addi %mul3A_475, %get3A_478 : vector<16xi32>
      %swap3A = arith.constant 1 : i32
      %swap3A_480 = arith.index_cast %swap3A : i32 to index
      %swap3A_481 = arith.index_cast %add3A_468 : i32 to index
      %swap3A_482 = tpu.vector_load %arg16[%swap3A_480, %swap3A_481] {strides = array<i32>} : memref<16x32xi32, #tpu.memory_space<vmem>>, vector<1x16xi32>,
      %swap3A_483 = vector.shape_cast %swap3A_482 : vector<1x16xi32> to vector<16xi32>
      %swap3A_484 = vector.shape_cast %add3A_479 : vector<16xi32> to vector<1x16xi32>
      tpu.vector_store %arg16[%swap3A_480, %swap3A_481], %swap3A_484 {strides = array<i32>} : memref<16x32xi32, #tpu.memory_space<vmem>>, vector<1x16xi32>,
    }
    %scan3A_28 = arith.constant 2 : i32
    %scan3A_29 = arith.constant 0 : i32
    %scan3A_30 = arith.constant 2 : i32
    %scan3A_31 = arith.addi %scan3A_29, %scan3A_30 : i32
    %scan3A_32 = arith.constant 1 : i32
    scf.for %scan3A_464 = %scan3A_29 to %scan3A_31 step %scan3A_32  : i32 {
      %mul3A_465 = arith.constant 16 : i32
      %mul3A_466 = arith.muli %scan3A_464, %mul3A_465 : i32
      %add3A_467 = arith.constant 0 : i32
      %add3A_468 = arith.addi %add3A_467, %mul3A_466 : i32
      %add3A_469 = arith.constant 64 : i32
      %add3A_470 = arith.addi %add3A_469, %add3A_468 : i32
      %get3A = arith.index_cast %add3A_470 : i32 to index
      %get3A_471 = tpu.vector_load %arg15[%get3A] {strides = array<i32>} : memref<512xi32, #tpu.memory_space<vmem>>, vector<16xi32>,
      %get3A_472 = vector.shape_cast %get3A_471 : vector<16xi32> to vector<16xi32>
      %mul3A_473 = arith.constant 2048 : i32
      %mul3A_474 = vector.broadcast %mul3A_473 : i32 to vector<16xi32>
      %mul3A_475 = arith.muli %get3A_472, %mul3A_474 : vector<16xi32>
      %get3A_476 = arith.index_cast %add3A_470 : i32 to index
      %get3A_477 = tpu.vector_load %arg14[%get3A_476] {strides = array<i32>} : memref<512xi32, #tpu.memory_space<vmem>>, vector<16xi32>,
      %get3A_478 = vector.shape_cast %get3A_477 : vector<16xi32> to vector<16xi32>
      %add3A_479 = arith.addi %mul3A_475, %get3A_478 : vector<16xi32>
      %swap3A = arith.constant 2 : i32
      %swap3A_480 = arith.index_cast %swap3A : i32 to index
      %swap3A_481 = arith.index_cast %add3A_468 : i32 to index
      %swap3A_482 = tpu.vector_load %arg16[%swap3A_480, %swap3A_481] {strides = array<i32>} : memref<16x32xi32, #tpu.memory_space<vmem>>, vector<1x16xi32>,
      %swap3A_483 = vector.shape_cast %swap3A_482 : vector<1x16xi32> to vector<16xi32>
      %swap3A_484 = vector.shape_cast %add3A_479 : vector<16xi32> to vector<1x16xi32>
      tpu.vector_store %arg16[%swap3A_480, %swap3A_481], %swap3A_484 {strides = array<i32>} : memref<16x32xi32, #tpu.memory_space<vmem>>, vector<1x16xi32>,
    }
    %scan3A_33 = arith.constant 2 : i32
    %scan3A_34 = arith.constant 0 : i32
    %scan3A_35 = arith.constant 2 : i32
    %scan3A_36 = arith.addi %scan3A_34, %scan3A_35 : i32
    %scan3A_37 = arith.constant 1 : i32
    scf.for %scan3A_464 = %scan3A_34 to %scan3A_36 step %scan3A_37  : i32 {
      %mul3A_465 = arith.constant 16 : i32
      %mul3A_466 = arith.muli %scan3A_464, %mul3A_465 : i32
      %add3A_467 = arith.constant 0 : i32
      %add3A_468 = arith.addi %add3A_467, %mul3A_466 : i32
      %add3A_469 = arith.constant 96 : i32
      %add3A_470 = arith.addi %add3A_469, %add3A_468 : i32
      %get3A = arith.index_cast %add3A_470 : i32 to index
      %get3A_471 = tpu.vector_load %arg15[%get3A] {strides = array<i32>} : memref<512xi32, #tpu.memory_space<vmem>>, vector<16xi32>,
      %get3A_472 = vector.shape_cast %get3A_471 : vector<16xi32> to vector<16xi32>
      %mul3A_473 = arith.constant 2048 : i32
      %mul3A_474 = vector.broadcast %mul3A_473 : i32 to vector<16xi32>
      %mul3A_475 = arith.muli %get3A_472, %mul3A_474 : vector<16xi32>
      %get3A_476 = arith.index_cast %add3A_470 : i32 to index
      %get3A_477 = tpu.vector_load %arg14[%get3A_476] {strides = array<i32>} : memref<512xi32, #tpu.memory_space<vmem>>, vector<16xi32>,
      %get3A_478 = vector.shape_cast %get3A_477 : vector<16xi32> to vector<16xi32>
      %add3A_479 = arith.addi %mul3A_475, %get3A_478 : vector<16xi32>
      %swap3A = arith.constant 3 : i32
      %swap3A_480 = arith.index_cast %swap3A : i32 to index
      %swap3A_481 = arith.index_cast %add3A_468 : i32 to index
      %swap3A_482 = tpu.vector_load %arg16[%swap3A_480, %swap3A_481] {strides = array<i32>} : memref<16x32xi32, #tpu.memory_space<vmem>>, vector<1x16xi32>,
      %swap3A_483 = vector.shape_cast %swap3A_482 : vector<1x16xi32> to vector<16xi32>
      %swap3A_484 = vector.shape_cast %add3A_479 : vector<16xi32> to vector<1x16xi32>
      tpu.vector_store %arg16[%swap3A_480, %swap3A_481], %swap3A_484 {strides = array<i32>} : memref<16x32xi32, #tpu.memory_space<vmem>>, vector<1x16xi32>,
    }
    %scan3A_38 = arith.constant 2 : i32
    %scan3A_39 = arith.constant 0 : i32
    %scan3A_40 = arith.constant 2 : i32
    %scan3A_41 = arith.addi %scan3A_39, %scan3A_40 : i32
    %scan3A_42 = arith.constant 1 : i32
    scf.for %scan3A_464 = %scan3A_39 to %scan3A_41 step %scan3A_42  : i32 {
      %mul3A_465 = arith.constant 16 : i32
      %mul3A_466 = arith.muli %scan3A_464, %mul3A_465 : i32
      %add3A_467 = arith.constant 0 : i32
      %add3A_468 = arith.addi %add3A_467, %mul3A_466 : i32
      %add3A_469 = arith.constant 128 : i32
      %add3A_470 = arith.addi %add3A_469, %add3A_468 : i32
      %get3A = arith.index_cast %add3A_470 : i32 to index
      %get3A_471 = tpu.vector_load %arg15[%get3A] {strides = array<i32>} : memref<512xi32, #tpu.memory_space<vmem>>, vector<16xi32>,
      %get3A_472 = vector.shape_cast %get3A_471 : vector<16xi32> to vector<16xi32>
      %mul3A_473 = arith.constant 2048 : i32
      %mul3A_474 = vector.broadcast %mul3A_473 : i32 to vector<16xi32>
      %mul3A_475 = arith.muli %get3A_472, %mul3A_474 : vector<16xi32>
      %get3A_476 = arith.index_cast %add3A_470 : i32 to index
      %get3A_477 = tpu.vector_load %arg14[%get3A_476] {strides = array<i32>} : memref<512xi32, #tpu.memory_space<vmem>>, vector<16xi32>,
      %get3A_478 = vector.shape_cast %get3A_477 : vector<16xi32> to vector<16xi32>
      %add3A_479 = arith.addi %mul3A_475, %get3A_478 : vector<16xi32>
      %swap3A = arith.constant 4 : i32
      %swap3A_480 = arith.index_cast %swap3A : i32 to index
      %swap3A_481 = arith.index_cast %add3A_468 : i32 to index
      %swap3A_482 = tpu.vector_load %arg16[%swap3A_480, %swap3A_481] {strides = array<i32>} : memref<16x32xi32, #tpu.memory_space<vmem>>, vector<1x16xi32>,
      %swap3A_483 = vector.shape_cast %swap3A_482 : vector<1x16xi32> to vector<16xi32>
      %swap3A_484 = vector.shape_cast %add3A_479 : vector<16xi32> to vector<1x16xi32>
      tpu.vector_store %arg16[%swap3A_480, %swap3A_481], %swap3A_484 {strides = array<i32>} : memref<16x32xi32, #tpu.memory_space<vmem>>, vector<1x16xi32>,
    }
    %scan3A_43 = arith.constant 2 : i32
    %scan3A_44 = arith.constant 0 : i32
    %scan3A_45 = arith.constant 2 : i32
    %scan3A_46 = arith.addi %scan3A_44, %scan3A_45 : i32
    %scan3A_47 = arith.constant 1 : i32
    scf.for %scan3A_464 = %scan3A_44 to %scan3A_46 step %scan3A_47  : i32 {
      %mul3A_465 = arith.constant 16 : i32
      %mul3A_466 = arith.muli %scan3A_464, %mul3A_465 : i32
      %add3A_467 = arith.constant 0 : i32
      %add3A_468 = arith.addi %add3A_467, %mul3A_466 : i32
      %add3A_469 = arith.constant 160 : i32
      %add3A_470 = arith.addi %add3A_469, %add3A_468 : i32
      %get3A = arith.index_cast %add3A_470 : i32 to index
      %get3A_471 = tpu.vector_load %arg15[%get3A] {strides = array<i32>} : memref<512xi32, #tpu.memory_space<vmem>>, vector<16xi32>,
      %get3A_472 = vector.shape_cast %get3A_471 : vector<16xi32> to vector<16xi32>
      %mul3A_473 = arith.constant 2048 : i32
      %mul3A_474 = vector.broadcast %mul3A_473 : i32 to vector<16xi32>
      %mul3A_475 = arith.muli %get3A_472, %mul3A_474 : vector<16xi32>
      %get3A_476 = arith.index_cast %add3A_470 : i32 to index
      %get3A_477 = tpu.vector_load %arg14[%get3A_476] {strides = array<i32>} : memref<512xi32, #tpu.memory_space<vmem>>, vector<16xi32>,
      %get3A_478 = vector.shape_cast %get3A_477 : vector<16xi32> to vector<16xi32>
      %add3A_479 = arith.addi %mul3A_475, %get3A_478 : vector<16xi32>
      %swap3A = arith.constant 5 : i32
      %swap3A_480 = arith.index_cast %swap3A : i32 to index
      %swap3A_481 = arith.index_cast %add3A_468 : i32 to index
      %swap3A_482 = tpu.vector_load %arg16[%swap3A_480, %swap3A_481] {strides = array<i32>} : memref<16x32xi32, #tpu.memory_space<vmem>>, vector<1x16xi32>,
      %swap3A_483 = vector.shape_cast %swap3A_482 : vector<1x16xi32> to vector<16xi32>
      %swap3A_484 = vector.shape_cast %add3A_479 : vector<16xi32> to vector<1x16xi32>
      tpu.vector_store %arg16[%swap3A_480, %swap3A_481], %swap3A_484 {strides = array<i32>} : memref<16x32xi32, #tpu.memory_space<vmem>>, vector<1x16xi32>,
    }
    %scan3A_48 = arith.constant 2 : i32
    %scan3A_49 = arith.constant 0 : i32
    %scan3A_50 = arith.constant 2 : i32
    %scan3A_51 = arith.addi %scan3A_49, %scan3A_50 : i32
    %scan3A_52 = arith.constant 1 : i32
    scf.for %scan3A_464 = %scan3A_49 to %scan3A_51 step %scan3A_52  : i32 {
      %mul3A_465 = arith.constant 16 : i32
      %mul3A_466 = arith.muli %scan3A_464, %mul3A_465 : i32
      %add3A_467 = arith.constant 0 : i32
      %add3A_468 = arith.addi %add3A_467, %mul3A_466 : i32
      %add3A_469 = arith.constant 192 : i32
      %add3A_470 = arith.addi %add3A_469, %add3A_468 : i32
      %get3A = arith.index_cast %add3A_470 : i32 to index
      %get3A_471 = tpu.vector_load %arg15[%get3A] {strides = array<i32>} : memref<512xi32, #tpu.memory_space<vmem>>, vector<16xi32>,
      %get3A_472 = vector.shape_cast %get3A_471 : vector<16xi32> to vector<16xi32>
      %mul3A_473 = arith.constant 2048 : i32
      %mul3A_474 = vector.broadcast %mul3A_473 : i32 to vector<16xi32>
      %mul3A_475 = arith.muli %get3A_472, %mul3A_474 : vector<16xi32>
      %get3A_476 = arith.index_cast %add3A_470 : i32 to index
      %get3A_477 = tpu.vector_load %arg14[%get3A_476] {strides = array<i32>} : memref<512xi32, #tpu.memory_space<vmem>>, vector<16xi32>,
      %get3A_478 = vector.shape_cast %get3A_477 : vector<16xi32> to vector<16xi32>
      %add3A_479 = arith.addi %mul3A_475, %get3A_478 : vector<16xi32>
      %swap3A = arith.constant 6 : i32
      %swap3A_480 = arith.index_cast %swap3A : i32 to index
      %swap3A_481 = arith.index_cast %add3A_468 : i32 to index
      %swap3A_482 = tpu.vector_load %arg16[%swap3A_480, %swap3A_481] {strides = array<i32>} : memref<16x32xi32, #tpu.memory_space<vmem>>, vector<1x16xi32>,
      %swap3A_483 = vector.shape_cast %swap3A_482 : vector<1x16xi32> to vector<16xi32>
      %swap3A_484 = vector.shape_cast %add3A_479 : vector<16xi32> to vector<1x16xi32>
      tpu.vector_store %arg16[%swap3A_480, %swap3A_481], %swap3A_484 {strides = array<i32>} : memref<16x32xi32, #tpu.memory_space<vmem>>, vector<1x16xi32>,
    }
    %scan3A_53 = arith.constant 2 : i32
    %scan3A_54 = arith.constant 0 : i32
    %scan3A_55 = arith.constant 2 : i32
    %scan3A_56 = arith.addi %scan3A_54, %scan3A_55 : i32
    %scan3A_57 = arith.constant 1 : i32
    scf.for %scan3A_464 = %scan3A_54 to %scan3A_56 step %scan3A_57  : i32 {
      %mul3A_465 = arith.constant 16 : i32
      %mul3A_466 = arith.muli %scan3A_464, %mul3A_465 : i32
      %add3A_467 = arith.constant 0 : i32
      %add3A_468 = arith.addi %add3A_467, %mul3A_466 : i32
      %add3A_469 = arith.constant 224 : i32
      %add3A_470 = arith.addi %add3A_469, %add3A_468 : i32
      %get3A = arith.index_cast %add3A_470 : i32 to index
      %get3A_471 = tpu.vector_load %arg15[%get3A] {strides = array<i32>} : memref<512xi32, #tpu.memory_space<vmem>>, vector<16xi32>,
      %get3A_472 = vector.shape_cast %get3A_471 : vector<16xi32> to vector<16xi32>
      %mul3A_473 = arith.constant 2048 : i32
      %mul3A_474 = vector.broadcast %mul3A_473 : i32 to vector<16xi32>
      %mul3A_475 = arith.muli %get3A_472, %mul3A_474 : vector<16xi32>
      %get3A_476 = arith.index_cast %add3A_470 : i32 to index
      %get3A_477 = tpu.vector_load %arg14[%get3A_476] {strides = array<i32>} : memref<512xi32, #tpu.memory_space<vmem>>, vector<16xi32>,
      %get3A_478 = vector.shape_cast %get3A_477 : vector<16xi32> to vector<16xi32>
      %add3A_479 = arith.addi %mul3A_475, %get3A_478 : vector<16xi32>
      %swap3A = arith.constant 7 : i32
      %swap3A_480 = arith.index_cast %swap3A : i32 to index
      %swap3A_481 = arith.index_cast %add3A_468 : i32 to index
      %swap3A_482 = tpu.vector_load %arg16[%swap3A_480, %swap3A_481] {strides = array<i32>} : memref<16x32xi32, #tpu.memory_space<vmem>>, vector<1x16xi32>,
      %swap3A_483 = vector.shape_cast %swap3A_482 : vector<1x16xi32> to vector<16xi32>
      %swap3A_484 = vector.shape_cast %add3A_479 : vector<16xi32> to vector<1x16xi32>
      tpu.vector_store %arg16[%swap3A_480, %swap3A_481], %swap3A_484 {strides = array<i32>} : memref<16x32xi32, #tpu.memory_space<vmem>>, vector<1x16xi32>,
    }
    %scan3A_58 = arith.constant 2 : i32
    %scan3A_59 = arith.constant 0 : i32
    %scan3A_60 = arith.constant 2 : i32
    %scan3A_61 = arith.addi %scan3A_59, %scan3A_60 : i32
    %scan3A_62 = arith.constant 1 : i32
    scf.for %scan3A_464 = %scan3A_59 to %scan3A_61 step %scan3A_62  : i32 {
      %mul3A_465 = arith.constant 16 : i32
      %mul3A_466 = arith.muli %scan3A_464, %mul3A_465 : i32
      %add3A_467 = arith.constant 0 : i32
      %add3A_468 = arith.addi %add3A_467, %mul3A_466 : i32
      %add3A_469 = arith.constant 256 : i32
      %add3A_470 = arith.addi %add3A_469, %add3A_468 : i32
      %get3A = arith.index_cast %add3A_470 : i32 to index
      %get3A_471 = tpu.vector_load %arg15[%get3A] {strides = array<i32>} : memref<512xi32, #tpu.memory_space<vmem>>, vector<16xi32>,
      %get3A_472 = vector.shape_cast %get3A_471 : vector<16xi32> to vector<16xi32>
      %mul3A_473 = arith.constant 2048 : i32
      %mul3A_474 = vector.broadcast %mul3A_473 : i32 to vector<16xi32>
      %mul3A_475 = arith.muli %get3A_472, %mul3A_474 : vector<16xi32>
      %get3A_476 = arith.index_cast %add3A_470 : i32 to index
      %get3A_477 = tpu.vector_load %arg14[%get3A_476] {strides = array<i32>} : memref<512xi32, #tpu.memory_space<vmem>>, vector<16xi32>,
      %get3A_478 = vector.shape_cast %get3A_477 : vector<16xi32> to vector<16xi32>
      %add3A_479 = arith.addi %mul3A_475, %get3A_478 : vector<16xi32>
      %swap3A = arith.constant 8 : i32
      %swap3A_480 = arith.index_cast %swap3A : i32 to index
      %swap3A_481 = arith.index_cast %add3A_468 : i32 to index
      %swap3A_482 = tpu.vector_load %arg16[%swap3A_480, %swap3A_481] {strides = array<i32>} : memref<16x32xi32, #tpu.memory_space<vmem>>, vector<1x16xi32>,
      %swap3A_483 = vector.shape_cast %swap3A_482 : vector<1x16xi32> to vector<16xi32>
      %swap3A_484 = vector.shape_cast %add3A_479 : vector<16xi32> to vector<1x16xi32>
      tpu.vector_store %arg16[%swap3A_480, %swap3A_481], %swap3A_484 {strides = array<i32>} : memref<16x32xi32, #tpu.memory_space<vmem>>, vector<1x16xi32>,
    }
    %scan3A_63 = arith.constant 2 : i32
    %scan3A_64 = arith.constant 0 : i32
    %scan3A_65 = arith.constant 2 : i32
    %scan3A_66 = arith.addi %scan3A_64, %scan3A_65 : i32
    %scan3A_67 = arith.constant 1 : i32
    scf.for %scan3A_464 = %scan3A_64 to %scan3A_66 step %scan3A_67  : i32 {
      %mul3A_465 = arith.constant 16 : i32
      %mul3A_466 = arith.muli %scan3A_464, %mul3A_465 : i32
      %add3A_467 = arith.constant 0 : i32
      %add3A_468 = arith.addi %add3A_467, %mul3A_466 : i32
      %add3A_469 = arith.constant 288 : i32
      %add3A_470 = arith.addi %add3A_469, %add3A_468 : i32
      %get3A = arith.index_cast %add3A_470 : i32 to index
      %get3A_471 = tpu.vector_load %arg15[%get3A] {strides = array<i32>} : memref<512xi32, #tpu.memory_space<vmem>>, vector<16xi32>,
      %get3A_472 = vector.shape_cast %get3A_471 : vector<16xi32> to vector<16xi32>
      %mul3A_473 = arith.constant 2048 : i32
      %mul3A_474 = vector.broadcast %mul3A_473 : i32 to vector<16xi32>
      %mul3A_475 = arith.muli %get3A_472, %mul3A_474 : vector<16xi32>
      %get3A_476 = arith.index_cast %add3A_470 : i32 to index
      %get3A_477 = tpu.vector_load %arg14[%get3A_476] {strides = array<i32>} : memref<512xi32, #tpu.memory_space<vmem>>, vector<16xi32>,
      %get3A_478 = vector.shape_cast %get3A_477 : vector<16xi32> to vector<16xi32>
      %add3A_479 = arith.addi %mul3A_475, %get3A_478 : vector<16xi32>
      %swap3A = arith.constant 9 : i32
      %swap3A_480 = arith.index_cast %swap3A : i32 to index
      %swap3A_481 = arith.index_cast %add3A_468 : i32 to index
      %swap3A_482 = tpu.vector_load %arg16[%swap3A_480, %swap3A_481] {strides = array<i32>} : memref<16x32xi32, #tpu.memory_space<vmem>>, vector<1x16xi32>,
      %swap3A_483 = vector.shape_cast %swap3A_482 : vector<1x16xi32> to vector<16xi32>
      %swap3A_484 = vector.shape_cast %add3A_479 : vector<16xi32> to vector<1x16xi32>
      tpu.vector_store %arg16[%swap3A_480, %swap3A_481], %swap3A_484 {strides = array<i32>} : memref<16x32xi32, #tpu.memory_space<vmem>>, vector<1x16xi32>,
    }
    %scan3A_68 = arith.constant 2 : i32
    %scan3A_69 = arith.constant 0 : i32
    %scan3A_70 = arith.constant 2 : i32
    %scan3A_71 = arith.addi %scan3A_69, %scan3A_70 : i32
    %scan3A_72 = arith.constant 1 : i32
    scf.for %scan3A_464 = %scan3A_69 to %scan3A_71 step %scan3A_72  : i32 {
      %mul3A_465 = arith.constant 16 : i32
      %mul3A_466 = arith.muli %scan3A_464, %mul3A_465 : i32
      %add3A_467 = arith.constant 0 : i32
      %add3A_468 = arith.addi %add3A_467, %mul3A_466 : i32
      %add3A_469 = arith.constant 320 : i32
      %add3A_470 = arith.addi %add3A_469, %add3A_468 : i32
      %get3A = arith.index_cast %add3A_470 : i32 to index
      %get3A_471 = tpu.vector_load %arg15[%get3A] {strides = array<i32>} : memref<512xi32, #tpu.memory_space<vmem>>, vector<16xi32>,
      %get3A_472 = vector.shape_cast %get3A_471 : vector<16xi32> to vector<16xi32>
      %mul3A_473 = arith.constant 2048 : i32
      %mul3A_474 = vector.broadcast %mul3A_473 : i32 to vector<16xi32>
      %mul3A_475 = arith.muli %get3A_472, %mul3A_474 : vector<16xi32>
      %get3A_476 = arith.index_cast %add3A_470 : i32 to index
      %get3A_477 = tpu.vector_load %arg14[%get3A_476] {strides = array<i32>} : memref<512xi32, #tpu.memory_space<vmem>>, vector<16xi32>,
      %get3A_478 = vector.shape_cast %get3A_477 : vector<16xi32> to vector<16xi32>
      %add3A_479 = arith.addi %mul3A_475, %get3A_478 : vector<16xi32>
      %swap3A = arith.constant 10 : i32
      %swap3A_480 = arith.index_cast %swap3A : i32 to index
      %swap3A_481 = arith.index_cast %add3A_468 : i32 to index
      %swap3A_482 = tpu.vector_load %arg16[%swap3A_480, %swap3A_481] {strides = array<i32>} : memref<16x32xi32, #tpu.memory_space<vmem>>, vector<1x16xi32>,
      %swap3A_483 = vector.shape_cast %swap3A_482 : vector<1x16xi32> to vector<16xi32>
      %swap3A_484 = vector.shape_cast %add3A_479 : vector<16xi32> to vector<1x16xi32>
      tpu.vector_store %arg16[%swap3A_480, %swap3A_481], %swap3A_484 {strides = array<i32>} : memref<16x32xi32, #tpu.memory_space<vmem>>, vector<1x16xi32>,
    }
    %scan3A_73 = arith.constant 2 : i32
    %scan3A_74 = arith.constant 0 : i32
    %scan3A_75 = arith.constant 2 : i32
    %scan3A_76 = arith.addi %scan3A_74, %scan3A_75 : i32
    %scan3A_77 = arith.constant 1 : i32
    scf.for %scan3A_464 = %scan3A_74 to %scan3A_76 step %scan3A_77  : i32 {
      %mul3A_465 = arith.constant 16 : i32
      %mul3A_466 = arith.muli %scan3A_464, %mul3A_465 : i32
      %add3A_467 = arith.constant 0 : i32
      %add3A_468 = arith.addi %add3A_467, %mul3A_466 : i32
      %add3A_469 = arith.constant 352 : i32
      %add3A_470 = arith.addi %add3A_469, %add3A_468 : i32
      %get3A = arith.index_cast %add3A_470 : i32 to index
      %get3A_471 = tpu.vector_load %arg15[%get3A] {strides = array<i32>} : memref<512xi32, #tpu.memory_space<vmem>>, vector<16xi32>,
      %get3A_472 = vector.shape_cast %get3A_471 : vector<16xi32> to vector<16xi32>
      %mul3A_473 = arith.constant 2048 : i32
      %mul3A_474 = vector.broadcast %mul3A_473 : i32 to vector<16xi32>
      %mul3A_475 = arith.muli %get3A_472, %mul3A_474 : vector<16xi32>
      %get3A_476 = arith.index_cast %add3A_470 : i32 to index
      %get3A_477 = tpu.vector_load %arg14[%get3A_476] {strides = array<i32>} : memref<512xi32, #tpu.memory_space<vmem>>, vector<16xi32>,
      %get3A_478 = vector.shape_cast %get3A_477 : vector<16xi32> to vector<16xi32>
      %add3A_479 = arith.addi %mul3A_475, %get3A_478 : vector<16xi32>
      %swap3A = arith.constant 11 : i32
      %swap3A_480 = arith.index_cast %swap3A : i32 to index
      %swap3A_481 = arith.index_cast %add3A_468 : i32 to index
      %swap3A_482 = tpu.vector_load %arg16[%swap3A_480, %swap3A_481] {strides = array<i32>} : memref<16x32xi32, #tpu.memory_space<vmem>>, vector<1x16xi32>,
      %swap3A_483 = vector.shape_cast %swap3A_482 : vector<1x16xi32> to vector<16xi32>
      %swap3A_484 = vector.shape_cast %add3A_479 : vector<16xi32> to vector<1x16xi32>
      tpu.vector_store %arg16[%swap3A_480, %swap3A_481], %swap3A_484 {strides = array<i32>} : memref<16x32xi32, #tpu.memory_space<vmem>>, vector<1x16xi32>,
    }
    %scan3A_78 = arith.constant 2 : i32
    %scan3A_79 = arith.constant 0 : i32
    %scan3A_80 = arith.constant 2 : i32
    %scan3A_81 = arith.addi %scan3A_79, %scan3A_80 : i32
    %scan3A_82 = arith.constant 1 : i32
    scf.for %scan3A_464 = %scan3A_79 to %scan3A_81 step %scan3A_82  : i32 {
      %mul3A_465 = arith.constant 16 : i32
      %mul3A_466 = arith.muli %scan3A_464, %mul3A_465 : i32
      %add3A_467 = arith.constant 0 : i32
      %add3A_468 = arith.addi %add3A_467, %mul3A_466 : i32
      %add3A_469 = arith.constant 384 : i32
      %add3A_470 = arith.addi %add3A_469, %add3A_468 : i32
      %get3A = arith.index_cast %add3A_470 : i32 to index
      %get3A_471 = tpu.vector_load %arg15[%get3A] {strides = array<i32>} : memref<512xi32, #tpu.memory_space<vmem>>, vector<16xi32>,
      %get3A_472 = vector.shape_cast %get3A_471 : vector<16xi32> to vector<16xi32>
      %mul3A_473 = arith.constant 2048 : i32
      %mul3A_474 = vector.broadcast %mul3A_473 : i32 to vector<16xi32>
      %mul3A_475 = arith.muli %get3A_472, %mul3A_474 : vector<16xi32>
      %get3A_476 = arith.index_cast %add3A_470 : i32 to index
      %get3A_477 = tpu.vector_load %arg14[%get3A_476] {strides = array<i32>} : memref<512xi32, #tpu.memory_space<vmem>>, vector<16xi32>,
      %get3A_478 = vector.shape_cast %get3A_477 : vector<16xi32> to vector<16xi32>
      %add3A_479 = arith.addi %mul3A_475, %get3A_478 : vector<16xi32>
      %swap3A = arith.constant 12 : i32
      %swap3A_480 = arith.index_cast %swap3A : i32 to index
      %swap3A_481 = arith.index_cast %add3A_468 : i32 to index
      %swap3A_482 = tpu.vector_load %arg16[%swap3A_480, %swap3A_481] {strides = array<i32>} : memref<16x32xi32, #tpu.memory_space<vmem>>, vector<1x16xi32>,
      %swap3A_483 = vector.shape_cast %swap3A_482 : vector<1x16xi32> to vector<16xi32>
      %swap3A_484 = vector.shape_cast %add3A_479 : vector<16xi32> to vector<1x16xi32>
      tpu.vector_store %arg16[%swap3A_480, %swap3A_481], %swap3A_484 {strides = array<i32>} : memref<16x32xi32, #tpu.memory_space<vmem>>, vector<1x16xi32>,
    }
    %scan3A_83 = arith.constant 2 : i32
    %scan3A_84 = arith.constant 0 : i32
    %scan3A_85 = arith.constant 2 : i32
    %scan3A_86 = arith.addi %scan3A_84, %scan3A_85 : i32
    %scan3A_87 = arith.constant 1 : i32
    scf.for %scan3A_464 = %scan3A_84 to %scan3A_86 step %scan3A_87  : i32 {
      %mul3A_465 = arith.constant 16 : i32
      %mul3A_466 = arith.muli %scan3A_464, %mul3A_465 : i32
      %add3A_467 = arith.constant 0 : i32
      %add3A_468 = arith.addi %add3A_467, %mul3A_466 : i32
      %add3A_469 = arith.constant 416 : i32
      %add3A_470 = arith.addi %add3A_469, %add3A_468 : i32
      %get3A = arith.index_cast %add3A_470 : i32 to index
      %get3A_471 = tpu.vector_load %arg15[%get3A] {strides = array<i32>} : memref<512xi32, #tpu.memory_space<vmem>>, vector<16xi32>,
      %get3A_472 = vector.shape_cast %get3A_471 : vector<16xi32> to vector<16xi32>
      %mul3A_473 = arith.constant 2048 : i32
      %mul3A_474 = vector.broadcast %mul3A_473 : i32 to vector<16xi32>
      %mul3A_475 = arith.muli %get3A_472, %mul3A_474 : vector<16xi32>
      %get3A_476 = arith.index_cast %add3A_470 : i32 to index
      %get3A_477 = tpu.vector_load %arg14[%get3A_476] {strides = array<i32>} : memref<512xi32, #tpu.memory_space<vmem>>, vector<16xi32>,
      %get3A_478 = vector.shape_cast %get3A_477 : vector<16xi32> to vector<16xi32>
      %add3A_479 = arith.addi %mul3A_475, %get3A_478 : vector<16xi32>
      %swap3A = arith.constant 13 : i32
      %swap3A_480 = arith.index_cast %swap3A : i32 to index
      %swap3A_481 = arith.index_cast %add3A_468 : i32 to index
      %swap3A_482 = tpu.vector_load %arg16[%swap3A_480, %swap3A_481] {strides = array<i32>} : memref<16x32xi32, #tpu.memory_space<vmem>>, vector<1x16xi32>,
      %swap3A_483 = vector.shape_cast %swap3A_482 : vector<1x16xi32> to vector<16xi32>
      %swap3A_484 = vector.shape_cast %add3A_479 : vector<16xi32> to vector<1x16xi32>
      tpu.vector_store %arg16[%swap3A_480, %swap3A_481], %swap3A_484 {strides = array<i32>} : memref<16x32xi32, #tpu.memory_space<vmem>>, vector<1x16xi32>,
    }
    %scan3A_88 = arith.constant 2 : i32
    %scan3A_89 = arith.constant 0 : i32
    %scan3A_90 = arith.constant 2 : i32
    %scan3A_91 = arith.addi %scan3A_89, %scan3A_90 : i32
    %scan3A_92 = arith.constant 1 : i32
    scf.for %scan3A_464 = %scan3A_89 to %scan3A_91 step %scan3A_92  : i32 {
      %mul3A_465 = arith.constant 16 : i32
      %mul3A_466 = arith.muli %scan3A_464, %mul3A_465 : i32
      %add3A_467 = arith.constant 0 : i32
      %add3A_468 = arith.addi %add3A_467, %mul3A_466 : i32
      %add3A_469 = arith.constant 448 : i32
      %add3A_470 = arith.addi %add3A_469, %add3A_468 : i32
      %get3A = arith.index_cast %add3A_470 : i32 to index
      %get3A_471 = tpu.vector_load %arg15[%get3A] {strides = array<i32>} : memref<512xi32, #tpu.memory_space<vmem>>, vector<16xi32>,
      %get3A_472 = vector.shape_cast %get3A_471 : vector<16xi32> to vector<16xi32>
      %mul3A_473 = arith.constant 2048 : i32
      %mul3A_474 = vector.broadcast %mul3A_473 : i32 to vector<16xi32>
      %mul3A_475 = arith.muli %get3A_472, %mul3A_474 : vector<16xi32>
      %get3A_476 = arith.index_cast %add3A_470 : i32 to index
      %get3A_477 = tpu.vector_load %arg14[%get3A_476] {strides = array<i32>} : memref<512xi32, #tpu.memory_space<vmem>>, vector<16xi32>,
      %get3A_478 = vector.shape_cast %get3A_477 : vector<16xi32> to vector<16xi32>
      %add3A_479 = arith.addi %mul3A_475, %get3A_478 : vector<16xi32>
      %swap3A = arith.constant 14 : i32
      %swap3A_480 = arith.index_cast %swap3A : i32 to index
      %swap3A_481 = arith.index_cast %add3A_468 : i32 to index
      %swap3A_482 = tpu.vector_load %arg16[%swap3A_480, %swap3A_481] {strides = array<i32>} : memref<16x32xi32, #tpu.memory_space<vmem>>, vector<1x16xi32>,
      %swap3A_483 = vector.shape_cast %swap3A_482 : vector<1x16xi32> to vector<16xi32>
      %swap3A_484 = vector.shape_cast %add3A_479 : vector<16xi32> to vector<1x16xi32>
      tpu.vector_store %arg16[%swap3A_480, %swap3A_481], %swap3A_484 {strides = array<i32>} : memref<16x32xi32, #tpu.memory_space<vmem>>, vector<1x16xi32>,
    }
    %scan3A_93 = arith.constant 2 : i32
    %scan3A_94 = arith.constant 0 : i32
    %scan3A_95 = arith.constant 2 : i32
    %scan3A_96 = arith.addi %scan3A_94, %scan3A_95 : i32
    %scan3A_97 = arith.constant 1 : i32
    scf.for %scan3A_464 = %scan3A_94 to %scan3A_96 step %scan3A_97  : i32 {
      %mul3A_465 = arith.constant 16 : i32
      %mul3A_466 = arith.muli %scan3A_464, %mul3A_465 : i32
      %add3A_467 = arith.constant 0 : i32
      %add3A_468 = arith.addi %add3A_467, %mul3A_466 : i32
      %add3A_469 = arith.constant 480 : i32
      %add3A_470 = arith.addi %add3A_469, %add3A_468 : i32
      %get3A = arith.index_cast %add3A_470 : i32 to index
      %get3A_471 = tpu.vector_load %arg15[%get3A] {strides = array<i32>} : memref<512xi32, #tpu.memory_space<vmem>>, vector<16xi32>,
      %get3A_472 = vector.shape_cast %get3A_471 : vector<16xi32> to vector<16xi32>
      %mul3A_473 = arith.constant 2048 : i32
      %mul3A_474 = vector.broadcast %mul3A_473 : i32 to vector<16xi32>
      %mul3A_475 = arith.muli %get3A_472, %mul3A_474 : vector<16xi32>
      %get3A_476 = arith.index_cast %add3A_470 : i32 to index
      %get3A_477 = tpu.vector_load %arg14[%get3A_476] {strides = array<i32>} : memref<512xi32, #tpu.memory_space<vmem>>, vector<16xi32>,
      %get3A_478 = vector.shape_cast %get3A_477 : vector<16xi32> to vector<16xi32>
      %add3A_479 = arith.addi %mul3A_475, %get3A_478 : vector<16xi32>
      %swap3A = arith.constant 15 : i32
      %swap3A_480 = arith.index_cast %swap3A : i32 to index
      %swap3A_481 = arith.index_cast %add3A_468 : i32 to index
      %swap3A_482 = tpu.vector_load %arg16[%swap3A_480, %swap3A_481] {strides = array<i32>} : memref<16x32xi32, #tpu.memory_space<vmem>>, vector<1x16xi32>,
      %swap3A_483 = vector.shape_cast %swap3A_482 : vector<1x16xi32> to vector<16xi32>
      %swap3A_484 = vector.shape_cast %add3A_479 : vector<16xi32> to vector<1x16xi32>
      tpu.vector_store %arg16[%swap3A_480, %swap3A_481], %swap3A_484 {strides = array<i32>} : memref<16x32xi32, #tpu.memory_space<vmem>>, vector<1x16xi32>,
    }
    %scan3A_98 = arith.constant 2 : i32
    %dma_wait3A = arith.constant 0 : i32
    %dma_wait3A_99 = tpu.memref_slice %arg2[%add3A_4, %dma_wait3A] : memref<16384x512xf32, #tpu.memory_space<hbm>> -> memref<32x512xf32, #tpu.memory_space<hbm>>
    %dma_wait3A_100 = arith.constant 0 : i32
    %dma_wait3A_101 = tpu.memref_slice %arg2[%add3A_4, %dma_wait3A_100] : memref<16384x512xf32, #tpu.memory_space<hbm>> -> memref<32x512xf32, #tpu.memory_space<hbm>>
    tpu.wait_dma2 semaphore(%arg17 : memref<!tpu.dma_semaphore, #tpu.memory_space<semaphore_mem>>) src(%dma_wait3A_101 : memref<32x512xf32, #tpu.memory_space<hbm>>) dst(%arg7 : memref<32x512xf32, #tpu.memory_space<vmem>>)
    %dma_start3A_102 = arith.constant 0 : i32
    %dma_start3A_103 = arith.constant 0 : i32
    %dma_start3A_104 = tpu.memref_slice %arg16[%dma_start3A_102, %dma_start3A_103] : memref<16x32xi32, #tpu.memory_space<vmem>> -> memref<1x32xi32, #tpu.memory_space<vmem>>
    %dma_start3A_105 = tpu.memref_squeeze %dma_start3A_104 : memref<1x32xi32, #tpu.memory_space<vmem>> -> memref<32xi32, #tpu.memory_space<vmem>>
    %dma_start3A_106 = arith.constant 0 : i32
    %dma_start3A_107 = arith.constant 0 : i32
    %dma_start3A_108 = tpu.memref_slice %arg5[%dma_start3A_106, %dma_start3A_107] : memref<32768x512xf32, #tpu.memory_space<hbm>> -> memref<32768x512xf32, #tpu.memory_space<hbm>>
    tpu.enqueue_indirect_dma source(%arg7 : memref<32x512xf32, #tpu.memory_space<vmem>>) target(%dma_start3A_108 : memref<32768x512xf32, #tpu.memory_space<hbm>>) offsets(%dma_start3A_105 : memref<32xi32, #tpu.memory_space<vmem>>) semaphore(%arg24 : memref<!tpu.dma_semaphore, #tpu.memory_space<semaphore_mem>>)
    %add3A_109 = arith.constant 96 : i32
    %add3A_110 = arith.addi %mul3A_2, %add3A_109 : i32
    %dma_start3A_111 = arith.constant 0 : i32
    %dma_start3A_112 = tpu.memref_slice %arg2[%add3A_110, %dma_start3A_111] : memref<16384x512xf32, #tpu.memory_space<hbm>> -> memref<32x512xf32, #tpu.memory_space<hbm>>
    %dma_start3A_113 = arith.constant 0 : i32
    %dma_start3A_114 = tpu.memref_slice %arg2[%add3A_110, %dma_start3A_113] : memref<16384x512xf32, #tpu.memory_space<hbm>> -> memref<32x512xf32, #tpu.memory_space<hbm>>
    tpu.enqueue_dma source(%dma_start3A_114 : memref<32x512xf32, #tpu.memory_space<hbm>>) target(%arg10 : memref<32x512xf32, #tpu.memory_space<vmem>>) target_semaphore(%arg20 : memref<!tpu.dma_semaphore, #tpu.memory_space<semaphore_mem>>)
    %dma_wait3A_115 = arith.constant 0 : i32
    %dma_wait3A_116 = tpu.memref_slice %arg2[%add3A_9, %dma_wait3A_115] : memref<16384x512xf32, #tpu.memory_space<hbm>> -> memref<32x512xf32, #tpu.memory_space<hbm>>
    %dma_wait3A_117 = arith.constant 0 : i32
    %dma_wait3A_118 = tpu.memref_slice %arg2[%add3A_9, %dma_wait3A_117] : memref<16384x512xf32, #tpu.memory_space<hbm>> -> memref<32x512xf32, #tpu.memory_space<hbm>>
    tpu.wait_dma2 semaphore(%arg18 : memref<!tpu.dma_semaphore, #tpu.memory_space<semaphore_mem>>) src(%dma_wait3A_118 : memref<32x512xf32, #tpu.memory_space<hbm>>) dst(%arg8 : memref<32x512xf32, #tpu.memory_space<vmem>>)
    %dma_start3A_119 = arith.constant 1 : i32
    %dma_start3A_120 = arith.constant 0 : i32
    %dma_start3A_121 = tpu.memref_slice %arg16[%dma_start3A_119, %dma_start3A_120] : memref<16x32xi32, #tpu.memory_space<vmem>> -> memref<1x32xi32, #tpu.memory_space<vmem>>
    %dma_start3A_122 = tpu.memref_squeeze %dma_start3A_121 : memref<1x32xi32, #tpu.memory_space<vmem>> -> memref<32xi32, #tpu.memory_space<vmem>>
    %dma_start3A_123 = arith.constant 0 : i32
    %dma_start3A_124 = arith.constant 0 : i32
    %dma_start3A_125 = tpu.memref_slice %arg5[%dma_start3A_123, %dma_start3A_124] : memref<32768x512xf32, #tpu.memory_space<hbm>> -> memref<32768x512xf32, #tpu.memory_space<hbm>>
    tpu.enqueue_indirect_dma source(%arg8 : memref<32x512xf32, #tpu.memory_space<vmem>>) target(%dma_start3A_125 : memref<32768x512xf32, #tpu.memory_space<hbm>>) offsets(%dma_start3A_122 : memref<32xi32, #tpu.memory_space<vmem>>) semaphore(%arg25 : memref<!tpu.dma_semaphore, #tpu.memory_space<semaphore_mem>>)
    %add3A_126 = arith.constant 128 : i32
    %add3A_127 = arith.addi %mul3A_2, %add3A_126 : i32
    %dma_start3A_128 = arith.constant 0 : i32
    %dma_start3A_129 = tpu.memref_slice %arg2[%add3A_127, %dma_start3A_128] : memref<16384x512xf32, #tpu.memory_space<hbm>> -> memref<32x512xf32, #tpu.memory_space<hbm>>
    %dma_start3A_130 = arith.constant 0 : i32
    %dma_start3A_131 = tpu.memref_slice %arg2[%add3A_127, %dma_start3A_130] : memref<16384x512xf32, #tpu.memory_space<hbm>> -> memref<32x512xf32, #tpu.memory_space<hbm>>
    tpu.enqueue_dma source(%dma_start3A_131 : memref<32x512xf32, #tpu.memory_space<hbm>>) target(%arg11 : memref<32x512xf32, #tpu.memory_space<vmem>>) target_semaphore(%arg21 : memref<!tpu.dma_semaphore, #tpu.memory_space<semaphore_mem>>)
    %dma_wait3A_132 = arith.constant 0 : i32
    %dma_wait3A_133 = tpu.memref_slice %arg2[%add3A_15, %dma_wait3A_132] : memref<16384x512xf32, #tpu.memory_space<hbm>> -> memref<32x512xf32, #tpu.memory_space<hbm>>
    %dma_wait3A_134 = arith.constant 0 : i32
    %dma_wait3A_135 = tpu.memref_slice %arg2[%add3A_15, %dma_wait3A_134] : memref<16384x512xf32, #tpu.memory_space<hbm>> -> memref<32x512xf32, #tpu.memory_space<hbm>>
    tpu.wait_dma2 semaphore(%arg19 : memref<!tpu.dma_semaphore, #tpu.memory_space<semaphore_mem>>) src(%dma_wait3A_135 : memref<32x512xf32, #tpu.memory_space<hbm>>) dst(%arg9 : memref<32x512xf32, #tpu.memory_space<vmem>>)
    %dma_start3A_136 = arith.constant 2 : i32
    %dma_start3A_137 = arith.constant 0 : i32
    %dma_start3A_138 = tpu.memref_slice %arg16[%dma_start3A_136, %dma_start3A_137] : memref<16x32xi32, #tpu.memory_space<vmem>> -> memref<1x32xi32, #tpu.memory_space<vmem>>
    %dma_start3A_139 = tpu.memref_squeeze %dma_start3A_138 : memref<1x32xi32, #tpu.memory_space<vmem>> -> memref<32xi32, #tpu.memory_space<vmem>>
    %dma_start3A_140 = arith.constant 0 : i32
    %dma_start3A_141 = arith.constant 0 : i32
    %dma_start3A_142 = tpu.memref_slice %arg5[%dma_start3A_140, %dma_start3A_141] : memref<32768x512xf32, #tpu.memory_space<hbm>> -> memref<32768x512xf32, #tpu.memory_space<hbm>>
    tpu.enqueue_indirect_dma source(%arg9 : memref<32x512xf32, #tpu.memory_space<vmem>>) target(%dma_start3A_142 : memref<32768x512xf32, #tpu.memory_space<hbm>>) offsets(%dma_start3A_139 : memref<32xi32, #tpu.memory_space<vmem>>) semaphore(%arg26 : memref<!tpu.dma_semaphore, #tpu.memory_space<semaphore_mem>>)
    %add3A_143 = arith.constant 160 : i32
    %add3A_144 = arith.addi %mul3A_2, %add3A_143 : i32
    %dma_start3A_145 = arith.constant 0 : i32
    %dma_start3A_146 = tpu.memref_slice %arg2[%add3A_144, %dma_start3A_145] : memref<16384x512xf32, #tpu.memory_space<hbm>> -> memref<32x512xf32, #tpu.memory_space<hbm>>
    %dma_start3A_147 = arith.constant 0 : i32
    %dma_start3A_148 = tpu.memref_slice %arg2[%add3A_144, %dma_start3A_147] : memref<16384x512xf32, #tpu.memory_space<hbm>> -> memref<32x512xf32, #tpu.memory_space<hbm>>
    tpu.enqueue_dma source(%dma_start3A_148 : memref<32x512xf32, #tpu.memory_space<hbm>>) target(%arg12 : memref<32x512xf32, #tpu.memory_space<vmem>>) target_semaphore(%arg22 : memref<!tpu.dma_semaphore, #tpu.memory_space<semaphore_mem>>)
    %dma_wait3A_149 = arith.constant 0 : i32
    %dma_wait3A_150 = tpu.memref_slice %arg2[%add3A_110, %dma_wait3A_149] : memref<16384x512xf32, #tpu.memory_space<hbm>> -> memref<32x512xf32, #tpu.memory_space<hbm>>
    %dma_wait3A_151 = arith.constant 0 : i32
    %dma_wait3A_152 = tpu.memref_slice %arg2[%add3A_110, %dma_wait3A_151] : memref<16384x512xf32, #tpu.memory_space<hbm>> -> memref<32x512xf32, #tpu.memory_space<hbm>>
    tpu.wait_dma2 semaphore(%arg20 : memref<!tpu.dma_semaphore, #tpu.memory_space<semaphore_mem>>) src(%dma_wait3A_152 : memref<32x512xf32, #tpu.memory_space<hbm>>) dst(%arg10 : memref<32x512xf32, #tpu.memory_space<vmem>>)
    %dma_start3A_153 = arith.constant 3 : i32
    %dma_start3A_154 = arith.constant 0 : i32
    %dma_start3A_155 = tpu.memref_slice %arg16[%dma_start3A_153, %dma_start3A_154] : memref<16x32xi32, #tpu.memory_space<vmem>> -> memref<1x32xi32, #tpu.memory_space<vmem>>
    %dma_start3A_156 = tpu.memref_squeeze %dma_start3A_155 : memref<1x32xi32, #tpu.memory_space<vmem>> -> memref<32xi32, #tpu.memory_space<vmem>>
    %dma_start3A_157 = arith.constant 0 : i32
    %dma_start3A_158 = arith.constant 0 : i32
    %dma_start3A_159 = tpu.memref_slice %arg5[%dma_start3A_157, %dma_start3A_158] : memref<32768x512xf32, #tpu.memory_space<hbm>> -> memref<32768x512xf32, #tpu.memory_space<hbm>>
    tpu.enqueue_indirect_dma source(%arg10 : memref<32x512xf32, #tpu.memory_space<vmem>>) target(%dma_start3A_159 : memref<32768x512xf32, #tpu.memory_space<hbm>>) offsets(%dma_start3A_156 : memref<32xi32, #tpu.memory_space<vmem>>) semaphore(%arg27 : memref<!tpu.dma_semaphore, #tpu.memory_space<semaphore_mem>>)
    %add3A_160 = arith.constant 192 : i32
    %add3A_161 = arith.addi %mul3A_2, %add3A_160 : i32
    %dma_start3A_162 = arith.constant 0 : i32
    %dma_start3A_163 = tpu.memref_slice %arg2[%add3A_161, %dma_start3A_162] : memref<16384x512xf32, #tpu.memory_space<hbm>> -> memref<32x512xf32, #tpu.memory_space<hbm>>
    %dma_start3A_164 = arith.constant 0 : i32
    %dma_start3A_165 = tpu.memref_slice %arg2[%add3A_161, %dma_start3A_164] : memref<16384x512xf32, #tpu.memory_space<hbm>> -> memref<32x512xf32, #tpu.memory_space<hbm>>
    tpu.enqueue_dma source(%dma_start3A_165 : memref<32x512xf32, #tpu.memory_space<hbm>>) target(%arg13 : memref<32x512xf32, #tpu.memory_space<vmem>>) target_semaphore(%arg23 : memref<!tpu.dma_semaphore, #tpu.memory_space<semaphore_mem>>)
    %dma_wait3A_166 = arith.constant 0 : i32
    %dma_wait3A_167 = tpu.memref_slice %arg2[%add3A_127, %dma_wait3A_166] : memref<16384x512xf32, #tpu.memory_space<hbm>> -> memref<32x512xf32, #tpu.memory_space<hbm>>
    %dma_wait3A_168 = arith.constant 0 : i32
    %dma_wait3A_169 = tpu.memref_slice %arg2[%add3A_127, %dma_wait3A_168] : memref<16384x512xf32, #tpu.memory_space<hbm>> -> memref<32x512xf32, #tpu.memory_space<hbm>>
    tpu.wait_dma2 semaphore(%arg21 : memref<!tpu.dma_semaphore, #tpu.memory_space<semaphore_mem>>) src(%dma_wait3A_169 : memref<32x512xf32, #tpu.memory_space<hbm>>) dst(%arg11 : memref<32x512xf32, #tpu.memory_space<vmem>>)
    %dma_start3A_170 = arith.constant 4 : i32
    %dma_start3A_171 = arith.constant 0 : i32
    %dma_start3A_172 = tpu.memref_slice %arg16[%dma_start3A_170, %dma_start3A_171] : memref<16x32xi32, #tpu.memory_space<vmem>> -> memref<1x32xi32, #tpu.memory_space<vmem>>
    %dma_start3A_173 = tpu.memref_squeeze %dma_start3A_172 : memref<1x32xi32, #tpu.memory_space<vmem>> -> memref<32xi32, #tpu.memory_space<vmem>>
    %dma_start3A_174 = arith.constant 0 : i32
    %dma_start3A_175 = arith.constant 0 : i32
    %dma_start3A_176 = tpu.memref_slice %arg5[%dma_start3A_174, %dma_start3A_175] : memref<32768x512xf32, #tpu.memory_space<hbm>> -> memref<32768x512xf32, #tpu.memory_space<hbm>>
    tpu.enqueue_indirect_dma source(%arg11 : memref<32x512xf32, #tpu.memory_space<vmem>>) target(%dma_start3A_176 : memref<32768x512xf32, #tpu.memory_space<hbm>>) offsets(%dma_start3A_173 : memref<32xi32, #tpu.memory_space<vmem>>) semaphore(%arg28 : memref<!tpu.dma_semaphore, #tpu.memory_space<semaphore_mem>>)
    %dma_wait3A_177 = arith.constant 0 : i32
    %dma_wait3A_178 = arith.constant 0 : i32
    %dma_wait3A_179 = tpu.memref_slice %arg16[%dma_wait3A_177, %dma_wait3A_178] : memref<16x32xi32, #tpu.memory_space<vmem>> -> memref<1x32xi32, #tpu.memory_space<vmem>>
    %dma_wait3A_180 = tpu.memref_squeeze %dma_wait3A_179 : memref<1x32xi32, #tpu.memory_space<vmem>> -> memref<32xi32, #tpu.memory_space<vmem>>
    %dma_wait3A_181 = arith.constant 0 : i32
    %dma_wait3A_182 = arith.constant 0 : i32
    %dma_wait3A_183 = tpu.memref_slice %arg5[%dma_wait3A_181, %dma_wait3A_182] : memref<32768x512xf32, #tpu.memory_space<hbm>> -> memref<32768x512xf32, #tpu.memory_space<hbm>>
    tpu.wait_indirect_dma semaphore(%arg24 : memref<!tpu.dma_semaphore, #tpu.memory_space<semaphore_mem>>) src(%arg7 : memref<32x512xf32, #tpu.memory_space<vmem>>) dst(%dma_wait3A_183 : memref<32768x512xf32, #tpu.memory_space<hbm>>)
    %add3A_184 = arith.constant 224 : i32
    %add3A_185 = arith.addi %mul3A_2, %add3A_184 : i32
    %dma_start3A_186 = arith.constant 0 : i32
    %dma_start3A_187 = tpu.memref_slice %arg2[%add3A_185, %dma_start3A_186] : memref<16384x512xf32, #tpu.memory_space<hbm>> -> memref<32x512xf32, #tpu.memory_space<hbm>>
    %dma_start3A_188 = arith.constant 0 : i32
    %dma_start3A_189 = tpu.memref_slice %arg2[%add3A_185, %dma_start3A_188] : memref<16384x512xf32, #tpu.memory_space<hbm>> -> memref<32x512xf32, #tpu.memory_space<hbm>>
    tpu.enqueue_dma source(%dma_start3A_189 : memref<32x512xf32, #tpu.memory_space<hbm>>) target(%arg7 : memref<32x512xf32, #tpu.memory_space<vmem>>) target_semaphore(%arg17 : memref<!tpu.dma_semaphore, #tpu.memory_space<semaphore_mem>>)
    %dma_wait3A_190 = arith.constant 0 : i32
    %dma_wait3A_191 = tpu.memref_slice %arg2[%add3A_144, %dma_wait3A_190] : memref<16384x512xf32, #tpu.memory_space<hbm>> -> memref<32x512xf32, #tpu.memory_space<hbm>>
    %dma_wait3A_192 = arith.constant 0 : i32
    %dma_wait3A_193 = tpu.memref_slice %arg2[%add3A_144, %dma_wait3A_192] : memref<16384x512xf32, #tpu.memory_space<hbm>> -> memref<32x512xf32, #tpu.memory_space<hbm>>
    tpu.wait_dma2 semaphore(%arg22 : memref<!tpu.dma_semaphore, #tpu.memory_space<semaphore_mem>>) src(%dma_wait3A_193 : memref<32x512xf32, #tpu.memory_space<hbm>>) dst(%arg12 : memref<32x512xf32, #tpu.memory_space<vmem>>)
    %dma_start3A_194 = arith.constant 5 : i32
    %dma_start3A_195 = arith.constant 0 : i32
    %dma_start3A_196 = tpu.memref_slice %arg16[%dma_start3A_194, %dma_start3A_195] : memref<16x32xi32, #tpu.memory_space<vmem>> -> memref<1x32xi32, #tpu.memory_space<vmem>>
    %dma_start3A_197 = tpu.memref_squeeze %dma_start3A_196 : memref<1x32xi32, #tpu.memory_space<vmem>> -> memref<32xi32, #tpu.memory_space<vmem>>
    %dma_start3A_198 = arith.constant 0 : i32
    %dma_start3A_199 = arith.constant 0 : i32
    %dma_start3A_200 = tpu.memref_slice %arg5[%dma_start3A_198, %dma_start3A_199] : memref<32768x512xf32, #tpu.memory_space<hbm>> -> memref<32768x512xf32, #tpu.memory_space<hbm>>
    tpu.enqueue_indirect_dma source(%arg12 : memref<32x512xf32, #tpu.memory_space<vmem>>) target(%dma_start3A_200 : memref<32768x512xf32, #tpu.memory_space<hbm>>) offsets(%dma_start3A_197 : memref<32xi32, #tpu.memory_space<vmem>>) semaphore(%arg29 : memref<!tpu.dma_semaphore, #tpu.memory_space<semaphore_mem>>)
    %dma_wait3A_201 = arith.constant 1 : i32
    %dma_wait3A_202 = arith.constant 0 : i32
    %dma_wait3A_203 = tpu.memref_slice %arg16[%dma_wait3A_201, %dma_wait3A_202] : memref<16x32xi32, #tpu.memory_space<vmem>> -> memref<1x32xi32, #tpu.memory_space<vmem>>
    %dma_wait3A_204 = tpu.memref_squeeze %dma_wait3A_203 : memref<1x32xi32, #tpu.memory_space<vmem>> -> memref<32xi32, #tpu.memory_space<vmem>>
    %dma_wait3A_205 = arith.constant 0 : i32
    %dma_wait3A_206 = arith.constant 0 : i32
    %dma_wait3A_207 = tpu.memref_slice %arg5[%dma_wait3A_205, %dma_wait3A_206] : memref<32768x512xf32, #tpu.memory_space<hbm>> -> memref<32768x512xf32, #tpu.memory_space<hbm>>
    tpu.wait_indirect_dma semaphore(%arg25 : memref<!tpu.dma_semaphore, #tpu.memory_space<semaphore_mem>>) src(%arg8 : memref<32x512xf32, #tpu.memory_space<vmem>>) dst(%dma_wait3A_207 : memref<32768x512xf32, #tpu.memory_space<hbm>>)
    %add3A_208 = arith.constant 256 : i32
    %add3A_209 = arith.addi %mul3A_2, %add3A_208 : i32
    %dma_start3A_210 = arith.constant 0 : i32
    %dma_start3A_211 = tpu.memref_slice %arg2[%add3A_209, %dma_start3A_210] : memref<16384x512xf32, #tpu.memory_space<hbm>> -> memref<32x512xf32, #tpu.memory_space<hbm>>
    %dma_start3A_212 = arith.constant 0 : i32
    %dma_start3A_213 = tpu.memref_slice %arg2[%add3A_209, %dma_start3A_212] : memref<16384x512xf32, #tpu.memory_space<hbm>> -> memref<32x512xf32, #tpu.memory_space<hbm>>
    tpu.enqueue_dma source(%dma_start3A_213 : memref<32x512xf32, #tpu.memory_space<hbm>>) target(%arg8 : memref<32x512xf32, #tpu.memory_space<vmem>>) target_semaphore(%arg18 : memref<!tpu.dma_semaphore, #tpu.memory_space<semaphore_mem>>)
    %dma_wait3A_214 = arith.constant 0 : i32
    %dma_wait3A_215 = tpu.memref_slice %arg2[%add3A_161, %dma_wait3A_214] : memref<16384x512xf32, #tpu.memory_space<hbm>> -> memref<32x512xf32, #tpu.memory_space<hbm>>
    %dma_wait3A_216 = arith.constant 0 : i32
    %dma_wait3A_217 = tpu.memref_slice %arg2[%add3A_161, %dma_wait3A_216] : memref<16384x512xf32, #tpu.memory_space<hbm>> -> memref<32x512xf32, #tpu.memory_space<hbm>>
    tpu.wait_dma2 semaphore(%arg23 : memref<!tpu.dma_semaphore, #tpu.memory_space<semaphore_mem>>) src(%dma_wait3A_217 : memref<32x512xf32, #tpu.memory_space<hbm>>) dst(%arg13 : memref<32x512xf32, #tpu.memory_space<vmem>>)
    %dma_start3A_218 = arith.constant 6 : i32
    %dma_start3A_219 = arith.constant 0 : i32
    %dma_start3A_220 = tpu.memref_slice %arg16[%dma_start3A_218, %dma_start3A_219] : memref<16x32xi32, #tpu.memory_space<vmem>> -> memref<1x32xi32, #tpu.memory_space<vmem>>
    %dma_start3A_221 = tpu.memref_squeeze %dma_start3A_220 : memref<1x32xi32, #tpu.memory_space<vmem>> -> memref<32xi32, #tpu.memory_space<vmem>>
    %dma_start3A_222 = arith.constant 0 : i32
    %dma_start3A_223 = arith.constant 0 : i32
    %dma_start3A_224 = tpu.memref_slice %arg5[%dma_start3A_222, %dma_start3A_223] : memref<32768x512xf32, #tpu.memory_space<hbm>> -> memref<32768x512xf32, #tpu.memory_space<hbm>>
    tpu.enqueue_indirect_dma source(%arg13 : memref<32x512xf32, #tpu.memory_space<vmem>>) target(%dma_start3A_224 : memref<32768x512xf32, #tpu.memory_space<hbm>>) offsets(%dma_start3A_221 : memref<32xi32, #tpu.memory_space<vmem>>) semaphore(%arg30 : memref<!tpu.dma_semaphore, #tpu.memory_space<semaphore_mem>>)
    %dma_wait3A_225 = arith.constant 2 : i32
    %dma_wait3A_226 = arith.constant 0 : i32
    %dma_wait3A_227 = tpu.memref_slice %arg16[%dma_wait3A_225, %dma_wait3A_226] : memref<16x32xi32, #tpu.memory_space<vmem>> -> memref<1x32xi32, #tpu.memory_space<vmem>>
    %dma_wait3A_228 = tpu.memref_squeeze %dma_wait3A_227 : memref<1x32xi32, #tpu.memory_space<vmem>> -> memref<32xi32, #tpu.memory_space<vmem>>
    %dma_wait3A_229 = arith.constant 0 : i32
    %dma_wait3A_230 = arith.constant 0 : i32
    %dma_wait3A_231 = tpu.memref_slice %arg5[%dma_wait3A_229, %dma_wait3A_230] : memref<32768x512xf32, #tpu.memory_space<hbm>> -> memref<32768x512xf32, #tpu.memory_space<hbm>>
    tpu.wait_indirect_dma semaphore(%arg26 : memref<!tpu.dma_semaphore, #tpu.memory_space<semaphore_mem>>) src(%arg9 : memref<32x512xf32, #tpu.memory_space<vmem>>) dst(%dma_wait3A_231 : memref<32768x512xf32, #tpu.memory_space<hbm>>)
    %add3A_232 = arith.constant 288 : i32
    %add3A_233 = arith.addi %mul3A_2, %add3A_232 : i32
    %dma_start3A_234 = arith.constant 0 : i32
    %dma_start3A_235 = tpu.memref_slice %arg2[%add3A_233, %dma_start3A_234] : memref<16384x512xf32, #tpu.memory_space<hbm>> -> memref<32x512xf32, #tpu.memory_space<hbm>>
    %dma_start3A_236 = arith.constant 0 : i32
    %dma_start3A_237 = tpu.memref_slice %arg2[%add3A_233, %dma_start3A_236] : memref<16384x512xf32, #tpu.memory_space<hbm>> -> memref<32x512xf32, #tpu.memory_space<hbm>>
    tpu.enqueue_dma source(%dma_start3A_237 : memref<32x512xf32, #tpu.memory_space<hbm>>) target(%arg9 : memref<32x512xf32, #tpu.memory_space<vmem>>) target_semaphore(%arg19 : memref<!tpu.dma_semaphore, #tpu.memory_space<semaphore_mem>>)
    %dma_wait3A_238 = arith.constant 0 : i32
    %dma_wait3A_239 = tpu.memref_slice %arg2[%add3A_185, %dma_wait3A_238] : memref<16384x512xf32, #tpu.memory_space<hbm>> -> memref<32x512xf32, #tpu.memory_space<hbm>>
    %dma_wait3A_240 = arith.constant 0 : i32
    %dma_wait3A_241 = tpu.memref_slice %arg2[%add3A_185, %dma_wait3A_240] : memref<16384x512xf32, #tpu.memory_space<hbm>> -> memref<32x512xf32, #tpu.memory_space<hbm>>
    tpu.wait_dma2 semaphore(%arg17 : memref<!tpu.dma_semaphore, #tpu.memory_space<semaphore_mem>>) src(%dma_wait3A_241 : memref<32x512xf32, #tpu.memory_space<hbm>>) dst(%arg7 : memref<32x512xf32, #tpu.memory_space<vmem>>)
    %dma_start3A_242 = arith.constant 7 : i32
    %dma_start3A_243 = arith.constant 0 : i32
    %dma_start3A_244 = tpu.memref_slice %arg16[%dma_start3A_242, %dma_start3A_243] : memref<16x32xi32, #tpu.memory_space<vmem>> -> memref<1x32xi32, #tpu.memory_space<vmem>>
    %dma_start3A_245 = tpu.memref_squeeze %dma_start3A_244 : memref<1x32xi32, #tpu.memory_space<vmem>> -> memref<32xi32, #tpu.memory_space<vmem>>
    %dma_start3A_246 = arith.constant 0 : i32
    %dma_start3A_247 = arith.constant 0 : i32
    %dma_start3A_248 = tpu.memref_slice %arg5[%dma_start3A_246, %dma_start3A_247] : memref<32768x512xf32, #tpu.memory_space<hbm>> -> memref<32768x512xf32, #tpu.memory_space<hbm>>
    tpu.enqueue_indirect_dma source(%arg7 : memref<32x512xf32, #tpu.memory_space<vmem>>) target(%dma_start3A_248 : memref<32768x512xf32, #tpu.memory_space<hbm>>) offsets(%dma_start3A_245 : memref<32xi32, #tpu.memory_space<vmem>>) semaphore(%arg24 : memref<!tpu.dma_semaphore, #tpu.memory_space<semaphore_mem>>)
    %dma_wait3A_249 = arith.constant 3 : i32
    %dma_wait3A_250 = arith.constant 0 : i32
    %dma_wait3A_251 = tpu.memref_slice %arg16[%dma_wait3A_249, %dma_wait3A_250] : memref<16x32xi32, #tpu.memory_space<vmem>> -> memref<1x32xi32, #tpu.memory_space<vmem>>
    %dma_wait3A_252 = tpu.memref_squeeze %dma_wait3A_251 : memref<1x32xi32, #tpu.memory_space<vmem>> -> memref<32xi32, #tpu.memory_space<vmem>>
    %dma_wait3A_253 = arith.constant 0 : i32
    %dma_wait3A_254 = arith.constant 0 : i32
    %dma_wait3A_255 = tpu.memref_slice %arg5[%dma_wait3A_253, %dma_wait3A_254] : memref<32768x512xf32, #tpu.memory_space<hbm>> -> memref<32768x512xf32, #tpu.memory_space<hbm>>
    tpu.wait_indirect_dma semaphore(%arg27 : memref<!tpu.dma_semaphore, #tpu.memory_space<semaphore_mem>>) src(%arg10 : memref<32x512xf32, #tpu.memory_space<vmem>>) dst(%dma_wait3A_255 : memref<32768x512xf32, #tpu.memory_space<hbm>>)
    %add3A_256 = arith.constant 320 : i32
    %add3A_257 = arith.addi %mul3A_2, %add3A_256 : i32
    %dma_start3A_258 = arith.constant 0 : i32
    %dma_start3A_259 = tpu.memref_slice %arg2[%add3A_257, %dma_start3A_258] : memref<16384x512xf32, #tpu.memory_space<hbm>> -> memref<32x512xf32, #tpu.memory_space<hbm>>
    %dma_start3A_260 = arith.constant 0 : i32
    %dma_start3A_261 = tpu.memref_slice %arg2[%add3A_257, %dma_start3A_260] : memref<16384x512xf32, #tpu.memory_space<hbm>> -> memref<32x512xf32, #tpu.memory_space<hbm>>
    tpu.enqueue_dma source(%dma_start3A_261 : memref<32x512xf32, #tpu.memory_space<hbm>>) target(%arg10 : memref<32x512xf32, #tpu.memory_space<vmem>>) target_semaphore(%arg20 : memref<!tpu.dma_semaphore, #tpu.memory_space<semaphore_mem>>)
    %dma_wait3A_262 = arith.constant 0 : i32
    %dma_wait3A_263 = tpu.memref_slice %arg2[%add3A_209, %dma_wait3A_262] : memref<16384x512xf32, #tpu.memory_space<hbm>> -> memref<32x512xf32, #tpu.memory_space<hbm>>
    %dma_wait3A_264 = arith.constant 0 : i32
    %dma_wait3A_265 = tpu.memref_slice %arg2[%add3A_209, %dma_wait3A_264] : memref<16384x512xf32, #tpu.memory_space<hbm>> -> memref<32x512xf32, #tpu.memory_space<hbm>>
    tpu.wait_dma2 semaphore(%arg18 : memref<!tpu.dma_semaphore, #tpu.memory_space<semaphore_mem>>) src(%dma_wait3A_265 : memref<32x512xf32, #tpu.memory_space<hbm>>) dst(%arg8 : memref<32x512xf32, #tpu.memory_space<vmem>>)
    %dma_start3A_266 = arith.constant 8 : i32
    %dma_start3A_267 = arith.constant 0 : i32
    %dma_start3A_268 = tpu.memref_slice %arg16[%dma_start3A_266, %dma_start3A_267] : memref<16x32xi32, #tpu.memory_space<vmem>> -> memref<1x32xi32, #tpu.memory_space<vmem>>
    %dma_start3A_269 = tpu.memref_squeeze %dma_start3A_268 : memref<1x32xi32, #tpu.memory_space<vmem>> -> memref<32xi32, #tpu.memory_space<vmem>>
    %dma_start3A_270 = arith.constant 0 : i32
    %dma_start3A_271 = arith.constant 0 : i32
    %dma_start3A_272 = tpu.memref_slice %arg5[%dma_start3A_270, %dma_start3A_271] : memref<32768x512xf32, #tpu.memory_space<hbm>> -> memref<32768x512xf32, #tpu.memory_space<hbm>>
    tpu.enqueue_indirect_dma source(%arg8 : memref<32x512xf32, #tpu.memory_space<vmem>>) target(%dma_start3A_272 : memref<32768x512xf32, #tpu.memory_space<hbm>>) offsets(%dma_start3A_269 : memref<32xi32, #tpu.memory_space<vmem>>) semaphore(%arg25 : memref<!tpu.dma_semaphore, #tpu.memory_space<semaphore_mem>>)
    %dma_wait3A_273 = arith.constant 4 : i32
    %dma_wait3A_274 = arith.constant 0 : i32
    %dma_wait3A_275 = tpu.memref_slice %arg16[%dma_wait3A_273, %dma_wait3A_274] : memref<16x32xi32, #tpu.memory_space<vmem>> -> memref<1x32xi32, #tpu.memory_space<vmem>>
    %dma_wait3A_276 = tpu.memref_squeeze %dma_wait3A_275 : memref<1x32xi32, #tpu.memory_space<vmem>> -> memref<32xi32, #tpu.memory_space<vmem>>
    %dma_wait3A_277 = arith.constant 0 : i32
    %dma_wait3A_278 = arith.constant 0 : i32
    %dma_wait3A_279 = tpu.memref_slice %arg5[%dma_wait3A_277, %dma_wait3A_278] : memref<32768x512xf32, #tpu.memory_space<hbm>> -> memref<32768x512xf32, #tpu.memory_space<hbm>>
    tpu.wait_indirect_dma semaphore(%arg28 : memref<!tpu.dma_semaphore, #tpu.memory_space<semaphore_mem>>) src(%arg11 : memref<32x512xf32, #tpu.memory_space<vmem>>) dst(%dma_wait3A_279 : memref<32768x512xf32, #tpu.memory_space<hbm>>)
    %add3A_280 = arith.constant 352 : i32
    %add3A_281 = arith.addi %mul3A_2, %add3A_280 : i32
    %dma_start3A_282 = arith.constant 0 : i32
    %dma_start3A_283 = tpu.memref_slice %arg2[%add3A_281, %dma_start3A_282] : memref<16384x512xf32, #tpu.memory_space<hbm>> -> memref<32x512xf32, #tpu.memory_space<hbm>>
    %dma_start3A_284 = arith.constant 0 : i32
    %dma_start3A_285 = tpu.memref_slice %arg2[%add3A_281, %dma_start3A_284] : memref<16384x512xf32, #tpu.memory_space<hbm>> -> memref<32x512xf32, #tpu.memory_space<hbm>>
    tpu.enqueue_dma source(%dma_start3A_285 : memref<32x512xf32, #tpu.memory_space<hbm>>) target(%arg11 : memref<32x512xf32, #tpu.memory_space<vmem>>) target_semaphore(%arg21 : memref<!tpu.dma_semaphore, #tpu.memory_space<semaphore_mem>>)
    %dma_wait3A_286 = arith.constant 0 : i32
    %dma_wait3A_287 = tpu.memref_slice %arg2[%add3A_233, %dma_wait3A_286] : memref<16384x512xf32, #tpu.memory_space<hbm>> -> memref<32x512xf32, #tpu.memory_space<hbm>>
    %dma_wait3A_288 = arith.constant 0 : i32
    %dma_wait3A_289 = tpu.memref_slice %arg2[%add3A_233, %dma_wait3A_288] : memref<16384x512xf32, #tpu.memory_space<hbm>> -> memref<32x512xf32, #tpu.memory_space<hbm>>
    tpu.wait_dma2 semaphore(%arg19 : memref<!tpu.dma_semaphore, #tpu.memory_space<semaphore_mem>>) src(%dma_wait3A_289 : memref<32x512xf32, #tpu.memory_space<hbm>>) dst(%arg9 : memref<32x512xf32, #tpu.memory_space<vmem>>)
    %dma_start3A_290 = arith.constant 9 : i32
    %dma_start3A_291 = arith.constant 0 : i32
    %dma_start3A_292 = tpu.memref_slice %arg16[%dma_start3A_290, %dma_start3A_291] : memref<16x32xi32, #tpu.memory_space<vmem>> -> memref<1x32xi32, #tpu.memory_space<vmem>>
    %dma_start3A_293 = tpu.memref_squeeze %dma_start3A_292 : memref<1x32xi32, #tpu.memory_space<vmem>> -> memref<32xi32, #tpu.memory_space<vmem>>
    %dma_start3A_294 = arith.constant 0 : i32
    %dma_start3A_295 = arith.constant 0 : i32
    %dma_start3A_296 = tpu.memref_slice %arg5[%dma_start3A_294, %dma_start3A_295] : memref<32768x512xf32, #tpu.memory_space<hbm>> -> memref<32768x512xf32, #tpu.memory_space<hbm>>
    tpu.enqueue_indirect_dma source(%arg9 : memref<32x512xf32, #tpu.memory_space<vmem>>) target(%dma_start3A_296 : memref<32768x512xf32, #tpu.memory_space<hbm>>) offsets(%dma_start3A_293 : memref<32xi32, #tpu.memory_space<vmem>>) semaphore(%arg26 : memref<!tpu.dma_semaphore, #tpu.memory_space<semaphore_mem>>)
    %dma_wait3A_297 = arith.constant 5 : i32
    %dma_wait3A_298 = arith.constant 0 : i32
    %dma_wait3A_299 = tpu.memref_slice %arg16[%dma_wait3A_297, %dma_wait3A_298] : memref<16x32xi32, #tpu.memory_space<vmem>> -> memref<1x32xi32, #tpu.memory_space<vmem>>
    %dma_wait3A_300 = tpu.memref_squeeze %dma_wait3A_299 : memref<1x32xi32, #tpu.memory_space<vmem>> -> memref<32xi32, #tpu.memory_space<vmem>>
    %dma_wait3A_301 = arith.constant 0 : i32
    %dma_wait3A_302 = arith.constant 0 : i32
    %dma_wait3A_303 = tpu.memref_slice %arg5[%dma_wait3A_301, %dma_wait3A_302] : memref<32768x512xf32, #tpu.memory_space<hbm>> -> memref<32768x512xf32, #tpu.memory_space<hbm>>
    tpu.wait_indirect_dma semaphore(%arg29 : memref<!tpu.dma_semaphore, #tpu.memory_space<semaphore_mem>>) src(%arg12 : memref<32x512xf32, #tpu.memory_space<vmem>>) dst(%dma_wait3A_303 : memref<32768x512xf32, #tpu.memory_space<hbm>>)
    %add3A_304 = arith.constant 384 : i32
    %add3A_305 = arith.addi %mul3A_2, %add3A_304 : i32
    %dma_start3A_306 = arith.constant 0 : i32
    %dma_start3A_307 = tpu.memref_slice %arg2[%add3A_305, %dma_start3A_306] : memref<16384x512xf32, #tpu.memory_space<hbm>> -> memref<32x512xf32, #tpu.memory_space<hbm>>
    %dma_start3A_308 = arith.constant 0 : i32
    %dma_start3A_309 = tpu.memref_slice %arg2[%add3A_305, %dma_start3A_308] : memref<16384x512xf32, #tpu.memory_space<hbm>> -> memref<32x512xf32, #tpu.memory_space<hbm>>
    tpu.enqueue_dma source(%dma_start3A_309 : memref<32x512xf32, #tpu.memory_space<hbm>>) target(%arg12 : memref<32x512xf32, #tpu.memory_space<vmem>>) target_semaphore(%arg22 : memref<!tpu.dma_semaphore, #tpu.memory_space<semaphore_mem>>)
    %dma_wait3A_310 = arith.constant 0 : i32
    %dma_wait3A_311 = tpu.memref_slice %arg2[%add3A_257, %dma_wait3A_310] : memref<16384x512xf32, #tpu.memory_space<hbm>> -> memref<32x512xf32, #tpu.memory_space<hbm>>
    %dma_wait3A_312 = arith.constant 0 : i32
    %dma_wait3A_313 = tpu.memref_slice %arg2[%add3A_257, %dma_wait3A_312] : memref<16384x512xf32, #tpu.memory_space<hbm>> -> memref<32x512xf32, #tpu.memory_space<hbm>>
    tpu.wait_dma2 semaphore(%arg20 : memref<!tpu.dma_semaphore, #tpu.memory_space<semaphore_mem>>) src(%dma_wait3A_313 : memref<32x512xf32, #tpu.memory_space<hbm>>) dst(%arg10 : memref<32x512xf32, #tpu.memory_space<vmem>>)
    %dma_start3A_314 = arith.constant 10 : i32
    %dma_start3A_315 = arith.constant 0 : i32
    %dma_start3A_316 = tpu.memref_slice %arg16[%dma_start3A_314, %dma_start3A_315] : memref<16x32xi32, #tpu.memory_space<vmem>> -> memref<1x32xi32, #tpu.memory_space<vmem>>
    %dma_start3A_317 = tpu.memref_squeeze %dma_start3A_316 : memref<1x32xi32, #tpu.memory_space<vmem>> -> memref<32xi32, #tpu.memory_space<vmem>>
    %dma_start3A_318 = arith.constant 0 : i32
    %dma_start3A_319 = arith.constant 0 : i32
    %dma_start3A_320 = tpu.memref_slice %arg5[%dma_start3A_318, %dma_start3A_319] : memref<32768x512xf32, #tpu.memory_space<hbm>> -> memref<32768x512xf32, #tpu.memory_space<hbm>>
    tpu.enqueue_indirect_dma source(%arg10 : memref<32x512xf32, #tpu.memory_space<vmem>>) target(%dma_start3A_320 : memref<32768x512xf32, #tpu.memory_space<hbm>>) offsets(%dma_start3A_317 : memref<32xi32, #tpu.memory_space<vmem>>) semaphore(%arg27 : memref<!tpu.dma_semaphore, #tpu.memory_space<semaphore_mem>>)
    %dma_wait3A_321 = arith.constant 6 : i32
    %dma_wait3A_322 = arith.constant 0 : i32
    %dma_wait3A_323 = tpu.memref_slice %arg16[%dma_wait3A_321, %dma_wait3A_322] : memref<16x32xi32, #tpu.memory_space<vmem>> -> memref<1x32xi32, #tpu.memory_space<vmem>>
    %dma_wait3A_324 = tpu.memref_squeeze %dma_wait3A_323 : memref<1x32xi32, #tpu.memory_space<vmem>> -> memref<32xi32, #tpu.memory_space<vmem>>
    %dma_wait3A_325 = arith.constant 0 : i32
    %dma_wait3A_326 = arith.constant 0 : i32
    %dma_wait3A_327 = tpu.memref_slice %arg5[%dma_wait3A_325, %dma_wait3A_326] : memref<32768x512xf32, #tpu.memory_space<hbm>> -> memref<32768x512xf32, #tpu.memory_space<hbm>>
    tpu.wait_indirect_dma semaphore(%arg30 : memref<!tpu.dma_semaphore, #tpu.memory_space<semaphore_mem>>) src(%arg13 : memref<32x512xf32, #tpu.memory_space<vmem>>) dst(%dma_wait3A_327 : memref<32768x512xf32, #tpu.memory_space<hbm>>)
    %add3A_328 = arith.constant 416 : i32
    %add3A_329 = arith.addi %mul3A_2, %add3A_328 : i32
    %dma_start3A_330 = arith.constant 0 : i32
    %dma_start3A_331 = tpu.memref_slice %arg2[%add3A_329, %dma_start3A_330] : memref<16384x512xf32, #tpu.memory_space<hbm>> -> memref<32x512xf32, #tpu.memory_space<hbm>>
    %dma_start3A_332 = arith.constant 0 : i32
    %dma_start3A_333 = tpu.memref_slice %arg2[%add3A_329, %dma_start3A_332] : memref<16384x512xf32, #tpu.memory_space<hbm>> -> memref<32x512xf32, #tpu.memory_space<hbm>>
    tpu.enqueue_dma source(%dma_start3A_333 : memref<32x512xf32, #tpu.memory_space<hbm>>) target(%arg13 : memref<32x512xf32, #tpu.memory_space<vmem>>) target_semaphore(%arg23 : memref<!tpu.dma_semaphore, #tpu.memory_space<semaphore_mem>>)
    %dma_wait3A_334 = arith.constant 0 : i32
    %dma_wait3A_335 = tpu.memref_slice %arg2[%add3A_281, %dma_wait3A_334] : memref<16384x512xf32, #tpu.memory_space<hbm>> -> memref<32x512xf32, #tpu.memory_space<hbm>>
    %dma_wait3A_336 = arith.constant 0 : i32
    %dma_wait3A_337 = tpu.memref_slice %arg2[%add3A_281, %dma_wait3A_336] : memref<16384x512xf32, #tpu.memory_space<hbm>> -> memref<32x512xf32, #tpu.memory_space<hbm>>
    tpu.wait_dma2 semaphore(%arg21 : memref<!tpu.dma_semaphore, #tpu.memory_space<semaphore_mem>>) src(%dma_wait3A_337 : memref<32x512xf32, #tpu.memory_space<hbm>>) dst(%arg11 : memref<32x512xf32, #tpu.memory_space<vmem>>)
    %dma_start3A_338 = arith.constant 11 : i32
    %dma_start3A_339 = arith.constant 0 : i32
    %dma_start3A_340 = tpu.memref_slice %arg16[%dma_start3A_338, %dma_start3A_339] : memref<16x32xi32, #tpu.memory_space<vmem>> -> memref<1x32xi32, #tpu.memory_space<vmem>>
    %dma_start3A_341 = tpu.memref_squeeze %dma_start3A_340 : memref<1x32xi32, #tpu.memory_space<vmem>> -> memref<32xi32, #tpu.memory_space<vmem>>
    %dma_start3A_342 = arith.constant 0 : i32
    %dma_start3A_343 = arith.constant 0 : i32
    %dma_start3A_344 = tpu.memref_slice %arg5[%dma_start3A_342, %dma_start3A_343] : memref<32768x512xf32, #tpu.memory_space<hbm>> -> memref<32768x512xf32, #tpu.memory_space<hbm>>
    tpu.enqueue_indirect_dma source(%arg11 : memref<32x512xf32, #tpu.memory_space<vmem>>) target(%dma_start3A_344 : memref<32768x512xf32, #tpu.memory_space<hbm>>) offsets(%dma_start3A_341 : memref<32xi32, #tpu.memory_space<vmem>>) semaphore(%arg28 : memref<!tpu.dma_semaphore, #tpu.memory_space<semaphore_mem>>)
    %dma_wait3A_345 = arith.constant 7 : i32
    %dma_wait3A_346 = arith.constant 0 : i32
    %dma_wait3A_347 = tpu.memref_slice %arg16[%dma_wait3A_345, %dma_wait3A_346] : memref<16x32xi32, #tpu.memory_space<vmem>> -> memref<1x32xi32, #tpu.memory_space<vmem>>
    %dma_wait3A_348 = tpu.memref_squeeze %dma_wait3A_347 : memref<1x32xi32, #tpu.memory_space<vmem>> -> memref<32xi32, #tpu.memory_space<vmem>>
    %dma_wait3A_349 = arith.constant 0 : i32
    %dma_wait3A_350 = arith.constant 0 : i32
    %dma_wait3A_351 = tpu.memref_slice %arg5[%dma_wait3A_349, %dma_wait3A_350] : memref<32768x512xf32, #tpu.memory_space<hbm>> -> memref<32768x512xf32, #tpu.memory_space<hbm>>
    tpu.wait_indirect_dma semaphore(%arg24 : memref<!tpu.dma_semaphore, #tpu.memory_space<semaphore_mem>>) src(%arg7 : memref<32x512xf32, #tpu.memory_space<vmem>>) dst(%dma_wait3A_351 : memref<32768x512xf32, #tpu.memory_space<hbm>>)
    %add3A_352 = arith.constant 448 : i32
    %add3A_353 = arith.addi %mul3A_2, %add3A_352 : i32
    %dma_start3A_354 = arith.constant 0 : i32
    %dma_start3A_355 = tpu.memref_slice %arg2[%add3A_353, %dma_start3A_354] : memref<16384x512xf32, #tpu.memory_space<hbm>> -> memref<32x512xf32, #tpu.memory_space<hbm>>
    %dma_start3A_356 = arith.constant 0 : i32
    %dma_start3A_357 = tpu.memref_slice %arg2[%add3A_353, %dma_start3A_356] : memref<16384x512xf32, #tpu.memory_space<hbm>> -> memref<32x512xf32, #tpu.memory_space<hbm>>
    tpu.enqueue_dma source(%dma_start3A_357 : memref<32x512xf32, #tpu.memory_space<hbm>>) target(%arg7 : memref<32x512xf32, #tpu.memory_space<vmem>>) target_semaphore(%arg17 : memref<!tpu.dma_semaphore, #tpu.memory_space<semaphore_mem>>)
    %dma_wait3A_358 = arith.constant 0 : i32
    %dma_wait3A_359 = tpu.memref_slice %arg2[%add3A_305, %dma_wait3A_358] : memref<16384x512xf32, #tpu.memory_space<hbm>> -> memref<32x512xf32, #tpu.memory_space<hbm>>
    %dma_wait3A_360 = arith.constant 0 : i32
    %dma_wait3A_361 = tpu.memref_slice %arg2[%add3A_305, %dma_wait3A_360] : memref<16384x512xf32, #tpu.memory_space<hbm>> -> memref<32x512xf32, #tpu.memory_space<hbm>>
    tpu.wait_dma2 semaphore(%arg22 : memref<!tpu.dma_semaphore, #tpu.memory_space<semaphore_mem>>) src(%dma_wait3A_361 : memref<32x512xf32, #tpu.memory_space<hbm>>) dst(%arg12 : memref<32x512xf32, #tpu.memory_space<vmem>>)
    %dma_start3A_362 = arith.constant 12 : i32
    %dma_start3A_363 = arith.constant 0 : i32
    %dma_start3A_364 = tpu.memref_slice %arg16[%dma_start3A_362, %dma_start3A_363] : memref<16x32xi32, #tpu.memory_space<vmem>> -> memref<1x32xi32, #tpu.memory_space<vmem>>
    %dma_start3A_365 = tpu.memref_squeeze %dma_start3A_364 : memref<1x32xi32, #tpu.memory_space<vmem>> -> memref<32xi32, #tpu.memory_space<vmem>>
    %dma_start3A_366 = arith.constant 0 : i32
    %dma_start3A_367 = arith.constant 0 : i32
    %dma_start3A_368 = tpu.memref_slice %arg5[%dma_start3A_366, %dma_start3A_367] : memref<32768x512xf32, #tpu.memory_space<hbm>> -> memref<32768x512xf32, #tpu.memory_space<hbm>>
    tpu.enqueue_indirect_dma source(%arg12 : memref<32x512xf32, #tpu.memory_space<vmem>>) target(%dma_start3A_368 : memref<32768x512xf32, #tpu.memory_space<hbm>>) offsets(%dma_start3A_365 : memref<32xi32, #tpu.memory_space<vmem>>) semaphore(%arg29 : memref<!tpu.dma_semaphore, #tpu.memory_space<semaphore_mem>>)
    %dma_wait3A_369 = arith.constant 8 : i32
    %dma_wait3A_370 = arith.constant 0 : i32
    %dma_wait3A_371 = tpu.memref_slice %arg16[%dma_wait3A_369, %dma_wait3A_370] : memref<16x32xi32, #tpu.memory_space<vmem>> -> memref<1x32xi32, #tpu.memory_space<vmem>>
    %dma_wait3A_372 = tpu.memref_squeeze %dma_wait3A_371 : memref<1x32xi32, #tpu.memory_space<vmem>> -> memref<32xi32, #tpu.memory_space<vmem>>
    %dma_wait3A_373 = arith.constant 0 : i32
    %dma_wait3A_374 = arith.constant 0 : i32
    %dma_wait3A_375 = tpu.memref_slice %arg5[%dma_wait3A_373, %dma_wait3A_374] : memref<32768x512xf32, #tpu.memory_space<hbm>> -> memref<32768x512xf32, #tpu.memory_space<hbm>>
    tpu.wait_indirect_dma semaphore(%arg25 : memref<!tpu.dma_semaphore, #tpu.memory_space<semaphore_mem>>) src(%arg8 : memref<32x512xf32, #tpu.memory_space<vmem>>) dst(%dma_wait3A_375 : memref<32768x512xf32, #tpu.memory_space<hbm>>)
    %add3A_376 = arith.constant 480 : i32
    %add3A_377 = arith.addi %mul3A_2, %add3A_376 : i32
    %dma_start3A_378 = arith.constant 0 : i32
    %dma_start3A_379 = tpu.memref_slice %arg2[%add3A_377, %dma_start3A_378] : memref<16384x512xf32, #tpu.memory_space<hbm>> -> memref<32x512xf32, #tpu.memory_space<hbm>>
    %dma_start3A_380 = arith.constant 0 : i32
    %dma_start3A_381 = tpu.memref_slice %arg2[%add3A_377, %dma_start3A_380] : memref<16384x512xf32, #tpu.memory_space<hbm>> -> memref<32x512xf32, #tpu.memory_space<hbm>>
    tpu.enqueue_dma source(%dma_start3A_381 : memref<32x512xf32, #tpu.memory_space<hbm>>) target(%arg8 : memref<32x512xf32, #tpu.memory_space<vmem>>) target_semaphore(%arg18 : memref<!tpu.dma_semaphore, #tpu.memory_space<semaphore_mem>>)
    %dma_wait3A_382 = arith.constant 0 : i32
    %dma_wait3A_383 = tpu.memref_slice %arg2[%add3A_329, %dma_wait3A_382] : memref<16384x512xf32, #tpu.memory_space<hbm>> -> memref<32x512xf32, #tpu.memory_space<hbm>>
    %dma_wait3A_384 = arith.constant 0 : i32
    %dma_wait3A_385 = tpu.memref_slice %arg2[%add3A_329, %dma_wait3A_384] : memref<16384x512xf32, #tpu.memory_space<hbm>> -> memref<32x512xf32, #tpu.memory_space<hbm>>
    tpu.wait_dma2 semaphore(%arg23 : memref<!tpu.dma_semaphore, #tpu.memory_space<semaphore_mem>>) src(%dma_wait3A_385 : memref<32x512xf32, #tpu.memory_space<hbm>>) dst(%arg13 : memref<32x512xf32, #tpu.memory_space<vmem>>)
    %dma_start3A_386 = arith.constant 13 : i32
    %dma_start3A_387 = arith.constant 0 : i32
    %dma_start3A_388 = tpu.memref_slice %arg16[%dma_start3A_386, %dma_start3A_387] : memref<16x32xi32, #tpu.memory_space<vmem>> -> memref<1x32xi32, #tpu.memory_space<vmem>>
    %dma_start3A_389 = tpu.memref_squeeze %dma_start3A_388 : memref<1x32xi32, #tpu.memory_space<vmem>> -> memref<32xi32, #tpu.memory_space<vmem>>
    %dma_start3A_390 = arith.constant 0 : i32
    %dma_start3A_391 = arith.constant 0 : i32
    %dma_start3A_392 = tpu.memref_slice %arg5[%dma_start3A_390, %dma_start3A_391] : memref<32768x512xf32, #tpu.memory_space<hbm>> -> memref<32768x512xf32, #tpu.memory_space<hbm>>
    tpu.enqueue_indirect_dma source(%arg13 : memref<32x512xf32, #tpu.memory_space<vmem>>) target(%dma_start3A_392 : memref<32768x512xf32, #tpu.memory_space<hbm>>) offsets(%dma_start3A_389 : memref<32xi32, #tpu.memory_space<vmem>>) semaphore(%arg30 : memref<!tpu.dma_semaphore, #tpu.memory_space<semaphore_mem>>)
    %dma_wait3A_393 = arith.constant 0 : i32
    %dma_wait3A_394 = tpu.memref_slice %arg2[%add3A_353, %dma_wait3A_393] : memref<16384x512xf32, #tpu.memory_space<hbm>> -> memref<32x512xf32, #tpu.memory_space<hbm>>
    %dma_wait3A_395 = arith.constant 0 : i32
    %dma_wait3A_396 = tpu.memref_slice %arg2[%add3A_353, %dma_wait3A_395] : memref<16384x512xf32, #tpu.memory_space<hbm>> -> memref<32x512xf32, #tpu.memory_space<hbm>>
    tpu.wait_dma2 semaphore(%arg17 : memref<!tpu.dma_semaphore, #tpu.memory_space<semaphore_mem>>) src(%dma_wait3A_396 : memref<32x512xf32, #tpu.memory_space<hbm>>) dst(%arg7 : memref<32x512xf32, #tpu.memory_space<vmem>>)
    %dma_start3A_397 = arith.constant 14 : i32
    %dma_start3A_398 = arith.constant 0 : i32
    %dma_start3A_399 = tpu.memref_slice %arg16[%dma_start3A_397, %dma_start3A_398] : memref<16x32xi32, #tpu.memory_space<vmem>> -> memref<1x32xi32, #tpu.memory_space<vmem>>
    %dma_start3A_400 = tpu.memref_squeeze %dma_start3A_399 : memref<1x32xi32, #tpu.memory_space<vmem>> -> memref<32xi32, #tpu.memory_space<vmem>>
    %dma_start3A_401 = arith.constant 0 : i32
    %dma_start3A_402 = arith.constant 0 : i32
    %dma_start3A_403 = tpu.memref_slice %arg5[%dma_start3A_401, %dma_start3A_402] : memref<32768x512xf32, #tpu.memory_space<hbm>> -> memref<32768x512xf32, #tpu.memory_space<hbm>>
    tpu.enqueue_indirect_dma source(%arg7 : memref<32x512xf32, #tpu.memory_space<vmem>>) target(%dma_start3A_403 : memref<32768x512xf32, #tpu.memory_space<hbm>>) offsets(%dma_start3A_400 : memref<32xi32, #tpu.memory_space<vmem>>) semaphore(%arg24 : memref<!tpu.dma_semaphore, #tpu.memory_space<semaphore_mem>>)
    %dma_wait3A_404 = arith.constant 0 : i32
    %dma_wait3A_405 = tpu.memref_slice %arg2[%add3A_377, %dma_wait3A_404] : memref<16384x512xf32, #tpu.memory_space<hbm>> -> memref<32x512xf32, #tpu.memory_space<hbm>>
    %dma_wait3A_406 = arith.constant 0 : i32
    %dma_wait3A_407 = tpu.memref_slice %arg2[%add3A_377, %dma_wait3A_406] : memref<16384x512xf32, #tpu.memory_space<hbm>> -> memref<32x512xf32, #tpu.memory_space<hbm>>
    tpu.wait_dma2 semaphore(%arg18 : memref<!tpu.dma_semaphore, #tpu.memory_space<semaphore_mem>>) src(%dma_wait3A_407 : memref<32x512xf32, #tpu.memory_space<hbm>>) dst(%arg8 : memref<32x512xf32, #tpu.memory_space<vmem>>)
    %dma_start3A_408 = arith.constant 15 : i32
    %dma_start3A_409 = arith.constant 0 : i32
    %dma_start3A_410 = tpu.memref_slice %arg16[%dma_start3A_408, %dma_start3A_409] : memref<16x32xi32, #tpu.memory_space<vmem>> -> memref<1x32xi32, #tpu.memory_space<vmem>>
    %dma_start3A_411 = tpu.memref_squeeze %dma_start3A_410 : memref<1x32xi32, #tpu.memory_space<vmem>> -> memref<32xi32, #tpu.memory_space<vmem>>
    %dma_start3A_412 = arith.constant 0 : i32
    %dma_start3A_413 = arith.constant 0 : i32
    %dma_start3A_414 = tpu.memref_slice %arg5[%dma_start3A_412, %dma_start3A_413] : memref<32768x512xf32, #tpu.memory_space<hbm>> -> memref<32768x512xf32, #tpu.memory_space<hbm>>
    tpu.enqueue_indirect_dma source(%arg8 : memref<32x512xf32, #tpu.memory_space<vmem>>) target(%dma_start3A_414 : memref<32768x512xf32, #tpu.memory_space<hbm>>) offsets(%dma_start3A_411 : memref<32xi32, #tpu.memory_space<vmem>>) semaphore(%arg25 : memref<!tpu.dma_semaphore, #tpu.memory_space<semaphore_mem>>)
    %dma_wait3A_415 = arith.constant 9 : i32
    %dma_wait3A_416 = arith.constant 0 : i32
    %dma_wait3A_417 = tpu.memref_slice %arg16[%dma_wait3A_415, %dma_wait3A_416] : memref<16x32xi32, #tpu.memory_space<vmem>> -> memref<1x32xi32, #tpu.memory_space<vmem>>
    %dma_wait3A_418 = tpu.memref_squeeze %dma_wait3A_417 : memref<1x32xi32, #tpu.memory_space<vmem>> -> memref<32xi32, #tpu.memory_space<vmem>>
    %dma_wait3A_419 = arith.constant 0 : i32
    %dma_wait3A_420 = arith.constant 0 : i32
    %dma_wait3A_421 = tpu.memref_slice %arg5[%dma_wait3A_419, %dma_wait3A_420] : memref<32768x512xf32, #tpu.memory_space<hbm>> -> memref<32768x512xf32, #tpu.memory_space<hbm>>
    tpu.wait_indirect_dma semaphore(%arg26 : memref<!tpu.dma_semaphore, #tpu.memory_space<semaphore_mem>>) src(%arg9 : memref<32x512xf32, #tpu.memory_space<vmem>>) dst(%dma_wait3A_421 : memref<32768x512xf32, #tpu.memory_space<hbm>>)
    %dma_wait3A_422 = arith.constant 10 : i32
    %dma_wait3A_423 = arith.constant 0 : i32
    %dma_wait3A_424 = tpu.memref_slice %arg16[%dma_wait3A_422, %dma_wait3A_423] : memref<16x32xi32, #tpu.memory_space<vmem>> -> memref<1x32xi32, #tpu.memory_space<vmem>>
    %dma_wait3A_425 = tpu.memref_squeeze %dma_wait3A_424 : memref<1x32xi32, #tpu.memory_space<vmem>> -> memref<32xi32, #tpu.memory_space<vmem>>
    %dma_wait3A_426 = arith.constant 0 : i32
    %dma_wait3A_427 = arith.constant 0 : i32
    %dma_wait3A_428 = tpu.memref_slice %arg5[%dma_wait3A_426, %dma_wait3A_427] : memref<32768x512xf32, #tpu.memory_space<hbm>> -> memref<32768x512xf32, #tpu.memory_space<hbm>>
    tpu.wait_indirect_dma semaphore(%arg27 : memref<!tpu.dma_semaphore, #tpu.memory_space<semaphore_mem>>) src(%arg10 : memref<32x512xf32, #tpu.memory_space<vmem>>) dst(%dma_wait3A_428 : memref<32768x512xf32, #tpu.memory_space<hbm>>)
    %dma_wait3A_429 = arith.constant 11 : i32
    %dma_wait3A_430 = arith.constant 0 : i32
    %dma_wait3A_431 = tpu.memref_slice %arg16[%dma_wait3A_429, %dma_wait3A_430] : memref<16x32xi32, #tpu.memory_space<vmem>> -> memref<1x32xi32, #tpu.memory_space<vmem>>
    %dma_wait3A_432 = tpu.memref_squeeze %dma_wait3A_431 : memref<1x32xi32, #tpu.memory_space<vmem>> -> memref<32xi32, #tpu.memory_space<vmem>>
    %dma_wait3A_433 = arith.constant 0 : i32
    %dma_wait3A_434 = arith.constant 0 : i32
    %dma_wait3A_435 = tpu.memref_slice %arg5[%dma_wait3A_433, %dma_wait3A_434] : memref<32768x512xf32, #tpu.memory_space<hbm>> -> memref<32768x512xf32, #tpu.memory_space<hbm>>
    tpu.wait_indirect_dma semaphore(%arg28 : memref<!tpu.dma_semaphore, #tpu.memory_space<semaphore_mem>>) src(%arg11 : memref<32x512xf32, #tpu.memory_space<vmem>>) dst(%dma_wait3A_435 : memref<32768x512xf32, #tpu.memory_space<hbm>>)
    %dma_wait3A_436 = arith.constant 12 : i32
    %dma_wait3A_437 = arith.constant 0 : i32
    %dma_wait3A_438 = tpu.memref_slice %arg16[%dma_wait3A_436, %dma_wait3A_437] : memref<16x32xi32, #tpu.memory_space<vmem>> -> memref<1x32xi32, #tpu.memory_space<vmem>>
    %dma_wait3A_439 = tpu.memref_squeeze %dma_wait3A_438 : memref<1x32xi32, #tpu.memory_space<vmem>> -> memref<32xi32, #tpu.memory_space<vmem>>
    %dma_wait3A_440 = arith.constant 0 : i32
    %dma_wait3A_441 = arith.constant 0 : i32
    %dma_wait3A_442 = tpu.memref_slice %arg5[%dma_wait3A_440, %dma_wait3A_441] : memref<32768x512xf32, #tpu.memory_space<hbm>> -> memref<32768x512xf32, #tpu.memory_space<hbm>>
    tpu.wait_indirect_dma semaphore(%arg29 : memref<!tpu.dma_semaphore, #tpu.memory_space<semaphore_mem>>) src(%arg12 : memref<32x512xf32, #tpu.memory_space<vmem>>) dst(%dma_wait3A_442 : memref<32768x512xf32, #tpu.memory_space<hbm>>)
    %dma_wait3A_443 = arith.constant 13 : i32
    %dma_wait3A_444 = arith.constant 0 : i32
    %dma_wait3A_445 = tpu.memref_slice %arg16[%dma_wait3A_443, %dma_wait3A_444] : memref<16x32xi32, #tpu.memory_space<vmem>> -> memref<1x32xi32, #tpu.memory_space<vmem>>
    %dma_wait3A_446 = tpu.memref_squeeze %dma_wait3A_445 : memref<1x32xi32, #tpu.memory_space<vmem>> -> memref<32xi32, #tpu.memory_space<vmem>>
    %dma_wait3A_447 = arith.constant 0 : i32
    %dma_wait3A_448 = arith.constant 0 : i32
    %dma_wait3A_449 = tpu.memref_slice %arg5[%dma_wait3A_447, %dma_wait3A_448] : memref<32768x512xf32, #tpu.memory_space<hbm>> -> memref<32768x512xf32, #tpu.memory_space<hbm>>
    tpu.wait_indirect_dma semaphore(%arg30 : memref<!tpu.dma_semaphore, #tpu.memory_space<semaphore_mem>>) src(%arg13 : memref<32x512xf32, #tpu.memory_space<vmem>>) dst(%dma_wait3A_449 : memref<32768x512xf32, #tpu.memory_space<hbm>>)
    %dma_wait3A_450 = arith.constant 14 : i32
    %dma_wait3A_451 = arith.constant 0 : i32
    %dma_wait3A_452 = tpu.memref_slice %arg16[%dma_wait3A_450, %dma_wait3A_451] : memref<16x32xi32, #tpu.memory_space<vmem>> -> memref<1x32xi32, #tpu.memory_space<vmem>>
    %dma_wait3A_453 = tpu.memref_squeeze %dma_wait3A_452 : memref<1x32xi32, #tpu.memory_space<vmem>> -> memref<32xi32, #tpu.memory_space<vmem>>
    %dma_wait3A_454 = arith.constant 0 : i32
    %dma_wait3A_455 = arith.constant 0 : i32
    %dma_wait3A_456 = tpu.memref_slice %arg5[%dma_wait3A_454, %dma_wait3A_455] : memref<32768x512xf32, #tpu.memory_space<hbm>> -> memref<32768x512xf32, #tpu.memory_space<hbm>>
    tpu.wait_indirect_dma semaphore(%arg24 : memref<!tpu.dma_semaphore, #tpu.memory_space<semaphore_mem>>) src(%arg7 : memref<32x512xf32, #tpu.memory_space<vmem>>) dst(%dma_wait3A_456 : memref<32768x512xf32, #tpu.memory_space<hbm>>)
    %dma_wait3A_457 = arith.constant 15 : i32
    %dma_wait3A_458 = arith.constant 0 : i32
    %dma_wait3A_459 = tpu.memref_slice %arg16[%dma_wait3A_457, %dma_wait3A_458] : memref<16x32xi32, #tpu.memory_space<vmem>> -> memref<1x32xi32, #tpu.memory_space<vmem>>
    %dma_wait3A_460 = tpu.memref_squeeze %dma_wait3A_459 : memref<1x32xi32, #tpu.memory_space<vmem>> -> memref<32xi32, #tpu.memory_space<vmem>>
    %dma_wait3A_461 = arith.constant 0 : i32
    %dma_wait3A_462 = arith.constant 0 : i32
    %dma_wait3A_463 = tpu.memref_slice %arg5[%dma_wait3A_461, %dma_wait3A_462] : memref<32768x512xf32, #tpu.memory_space<hbm>> -> memref<32768x512xf32, #tpu.memory_space<hbm>>
    tpu.wait_indirect_dma semaphore(%arg25 : memref<!tpu.dma_semaphore, #tpu.memory_space<semaphore_mem>>) src(%arg8 : memref<32x512xf32, #tpu.memory_space<vmem>>) dst(%dma_wait3A_463 : memref<32768x512xf32, #tpu.memory_space<hbm>>)
    return
  }
}

module attributes {stable_mosaic.version = 14 : i64} {
  func.func @_zeros_kernel(%arg0: i32, %arg1: memref<2048x512xf32, #tpu.memory_space<vmem>>) attributes {dimension_semantics = [#tpu.dimension_semantics<arbitrary>], iteration_bounds = array<i64: 16>, scalar_prefetch = 0 : i64, scratch_operands = 0 : i64, tpu.core_type = #tpu.core_type<tc>, window_params = [{transform_indices = @transform_0, window_bounds = array<i64: 2048, 512>}]} {
    %broadcast_in_dim3A = arith.constant 0.000000e+00 : f32
    %broadcast_in_dim3A_0 = vector.broadcast %broadcast_in_dim3A : f32 to vector<2048x512xf32>
    %swap3A = arith.constant 0 : index
    %swap3A_1 = arith.constant 0 : index
    %swap3A_2 = vector.load %arg1[%swap3A, %swap3A_1] : memref<2048x512xf32, #tpu.memory_space<vmem>>, vector<2048x512xf32>
    tpu.vector_store %arg1[%swap3A, %swap3A_1], %broadcast_in_dim3A_0 {strides = array<i32>} : memref<2048x512xf32, #tpu.memory_space<vmem>>, vector<2048x512xf32>,
    return
  }
  func.func @transform_0(%arg0: i32) -> (i32, i32) {
    %c0_i32 = arith.constant 0 : i32
    %c0_i32_0 = arith.constant 0 : i32
    return %arg0, %c0_i32 : i32, i32
  }
}

</mosaic_0001>

<sc_bundles>
// kernel: _.3.cloned.1.call-start
scs
__scs_entry_jumppad:
0x0: {  	(pc) =	sbr.rel $0x88, $3  }
0x1: {  	(tag) =	ssettag $0x0;
	lr =	simm.s32 $0x1  }
0x2: {  	[smem:$0x3F9E] =	sst lr;
	_ =	strace $0xD0000000  }
0x3: {  	_ = 	snop  }
0x4: {  	_ = 	snop  }
0x5: {  	_ = 	snop  }
0x6: {  	_ = 	snop  }
0x7: {  	_ = 	snop  }
__scs_overlays_trampoline_lowered:
0x8: {  	[smem:$0x3FAD] =	sst s0  }
0x9: {  	[smem:$0x3FAE] =	sst s1  }
0xa: {  	[smem:$0x3FAF] =	sst s2  }
0xb: {  	[smem:$0x3FB0] =	sst s3  }
0xc: {  	[smem:$0x3FB1] =	sst s4  }
0xd: {  	[smem:$0x3FB2] =	sst s5  }
0xe: {  	[smem:$0x3FB3] =	sst s6  }
0xf: {  	[smem:$0x3FB4] =	sst s7  }
0x10: {  	[smem:$0x3FB5] =	sst s8  }
0x11: {  	[smem:$0x3FB6] =	sst s9;
	s0 =	simm.s32 @!p0 $0x0  }
0x12: {  	s1 =	sld [smem:$0x3F9C];
	s0 =	simm.s32 @p0 $0x1  }
0x13: {  	[smem:$0x3FB7] =	sst s0;
	s0 =	simm.s32 @!p1 $0x0  }
0x14: {  	s2 =	sld [smem:$0x3F9B];
	s0 =	simm.s32 @p1 $0x1  }
0x15: {  	[smem:$0x3FB8] =	sst s0;
	s0 =	simm.s32 @!p2 $0x0  }
0x16: {  	s3 =	sld [smem:$0x3FDB];
	s0 =	simm.s32 @p2 $0x1  }
0x17: {  	s4 =	simm.s32 $0x1BF5;
	[smem:$0x3FBA] =	sst s0  }
0x18: {  	s0 =	sld [smem:$0x3F9D];
	_ =	swait.ge [sflag:s4], $0x0  }
0x19: {  	s7 =	sld [smem:$0x3F9E]  }
0x1a: {  	s8 =	sadd.s32 $0xFFFFE003, lr  }
0x1b: {  	s9 =	sadd.s32 $0xFFFFFEF7, lr;
	s5 =	simm.s32 $0xFFFFFFFF;
	p2 =	slt.u32 s8, $0xFFFFF086  }
0x1c: {  	p1 =	slt.u32 s9, $0xF7A;
	s5 =	simm.s32 @!p2 $0x0  }
0x1d: {  	s5 =	simm.s32 @p1 $0x1;
	p0 =	seq.s32 s7, s2  }
0x1e: {  	s7 =	smul.u32 @!p0 $0xF7A, s2;
	p2 =	seq.s32 @!p0 s5, $0x0  }
0x1f: {  	s9 =	smul.u32 $0xF7A, s1;
	s8 =	simm.s32 @!p0 $0x1BF5;
	p2 =	por !p2, p0  }
0x20: {  	[sflag:s8] =	ssyncset.s32 @!p0 $0xFFFFF086;
	s6 =	sadd.s32 @!p0 s3, s7;
	s7 =	simm.s32 @!p0 $0x108  }
0x21: {  	s3 =	sadd.s32 s3, s9;
	s6 =	sadd.s32 @!p0 $0x88, s6;
	s7 =	simm.s32 @p2 $0x1082  }
0x22: {  	[simem:s7], [sflag:s8] =	dma.local @!p0 [hbm:s6], $0xF7A  }
0x23: {  	s9 =	sor.u32 $0xD0000000, s2;
	s6 =	simm.s32 $0x108;
	_ =	swait.ge @!p0 [sflag:s8], $0x0  }
0x24: {  	s3 =	sadd.s32 $0x88, s3;
	s6 =	simm.s32 @!p1 $0x1082;
	[sflag:s4] =	ssyncset.s32 $0xFFFFF086  }
0x25: {  	[simem:s6], [sflag:s4] =	dma.local [hbm:s3], $0xF7A  }
0x26: {  	[smem:$0x3F9E] =	sst s1;
	(tag) =	ssettag s2;
	_ =	strace s9  }
0x27: {  	s1 =	sld [smem:$0x3FAE]  }
0x28: {  	s2 =	sld [smem:$0x3FAF]  }
0x29: {  	s4 =	sld [smem:$0x3FB1]  }
0x2a: {  	p0 =	seq.s32 s5, $0x0;
	s5 =	sld [smem:$0x3FB2]  }
0x2b: {  	s6 =	sld [smem:$0x3FB3]  }
0x2c: {  	s7 =	sld [smem:$0x3FB4]  }
0x2d: {  	s3 =	simm.s32 $0x108;
	s8 =	sld [smem:$0x3FB5]  }
0x2e: {  	s3 =	simm.s32 @!p0 $0x1082;
	s9 =	sld [smem:$0x3FB6]  }
0x2f: {  	lr =	sadd.s32 s0, s3;
	s0 =	sld [smem:$0x3FAD]  }
0x30: {  	s3 =	sld [smem:$0x3FB0]  }
0x31: {  	[smem:$0x3FB9] =	sst s10  }
0x32: {  	s10 =	sld [smem:$0x3FB7];
	_ =	sdelay $0x3  }
0x33: {  	p0 =	seq.s32 s10, $0x1;
	s10 =	sld [smem:$0x3FB9];
	_ =	sdelay $0x3  }
0x34: {  	[smem:$0x3FB9] =	sst s10  }
0x35: {  	s10 =	sld [smem:$0x3FB8];
	_ =	sdelay $0x3  }
0x36: {  	p1 =	seq.s32 s10, $0x1;
	s10 =	sld [smem:$0x3FB9];
	_ =	sdelay $0x3  }
0x37: {  	[smem:$0x3FB9] =	sst s10  }
0x38: {  	s10 =	sld [smem:$0x3FBA]  }
0x39: {  	_ = 	snop;
	(pc) =	sbr.ind lr, $3  }
0x3a: {  	_ = 	snop  }
0x3b: {  	_ = 	snop  }
0x3c: {  	p2 =	seq.s32 s10, $0x1;
	s10 =	sld [smem:$0x3FB9]  }
0x3d: {  	_ =	shalt  }
0x3e: {  	_ =	shalt  }
0x3f: {  	_ =	shalt  }
0x40: {  	_ =	shalt  }
0x41: {  	_ =	shalt  }
0x42: {  	_ =	shalt  }
0x43: {  	_ =	shalt  }
0x44: {  	_ =	shalt  }
0x45: {  	_ =	shalt  }
0x46: {  	_ =	shalt  }
0x47: {  	_ =	shalt  }
0x48: {  	_ =	shalt  }
0x49: {  	_ =	shalt  }
0x4a: {  	_ =	shalt  }
0x4b: {  	_ =	shalt  }
0x4c: {  	_ =	shalt  }
0x4d: {  	_ =	shalt  }
0x4e: {  	_ =	shalt  }
0x4f: {  	_ =	shalt  }
0x50: {  	_ =	shalt  }
0x51: {  	_ =	shalt  }
0x52: {  	_ =	shalt  }
0x53: {  	_ =	shalt  }
0x54: {  	_ =	shalt  }
0x55: {  	_ =	shalt  }
0x56: {  	_ =	shalt  }
0x57: {  	_ =	shalt  }
0x58: {  	_ =	shalt  }
0x59: {  	_ =	shalt  }
0x5a: {  	_ =	shalt  }
0x5b: {  	_ =	shalt  }
0x5c: {  	_ =	shalt  }
0x5d: {  	_ =	shalt  }
0x5e: {  	_ =	shalt  }
0x5f: {  	_ =	shalt  }
0x60: {  	_ =	shalt  }
0x61: {  	_ =	shalt  }
0x62: {  	_ =	shalt  }
0x63: {  	_ =	shalt  }
0x64: {  	_ =	shalt  }
0x65: {  	_ =	shalt  }
0x66: {  	_ =	shalt  }
0x67: {  	_ =	shalt  }
0x68: {  	_ =	shalt  }
0x69: {  	_ =	shalt  }
0x6a: {  	_ =	shalt  }
0x6b: {  	_ =	shalt  }
0x6c: {  	_ =	shalt  }
0x6d: {  	_ =	shalt  }
0x6e: {  	_ =	shalt  }
0x6f: {  	_ =	shalt  }
0x70: {  	_ =	shalt  }
0x71: {  	_ =	shalt  }
0x72: {  	_ =	shalt  }
0x73: {  	_ =	shalt  }
0x74: {  	_ =	shalt  }
0x75: {  	_ =	shalt  }
0x76: {  	_ =	shalt  }
0x77: {  	_ =	shalt  }
0x78: {  	_ =	shalt  }
0x79: {  	_ =	shalt  }
0x7a: {  	_ =	shalt  }
0x7b: {  	_ =	shalt  }
0x7c: {  	_ =	shalt  }
0x7d: {  	_ =	shalt  }
0x7e: {  	_ =	shalt  }
0x7f: {  	_ =	shalt  }
0x80: {  	_ =	shalt  }
0x81: {  	_ =	shalt  }
0x82: {  	_ =	shalt  }
0x83: {  	_ =	shalt  }
0x84: {  	_ =	shalt  }
0x85: {  	_ =	shalt  }
0x86: {  	_ =	shalt  }
0x87: {  	_ =	shalt  }
.Lfunc_end0:
.L_simem_size_0:
called_computation_lowered:
.L_overlay_start_0:
0x88: {  	s2 =	sld [smem:$0x3FD9]  }
0x89: {  	s3 =	sld [smem:$0x3FFE];
	_ =	sdelay $0x1  }
0x8a: {  	s1 =	srdreg.scid  }
0x8b: {  	s0 =	sand.u32 $0x1, s1  }
0x8c: {  	s18 =	sshll.u32 s0, $0xA;
	s2 =	sadd.s32 s3, s2  }
0x8d: {  	s2 =	sadd.s32 s2, s18  }
0x8e: {  	[smem:$0x3FC5] =	sst s2  }
0x8f: {  	_ = 	snop  }
0x90: {  	s2 =	sld [smem:$0x3FC9]  }
0x91: {  	s19 =	sld [smem:$0x3FC8]  }
0x92: {  	s4 =	sld [smem:$0x3FC7]  }
0x93: {  	s5 =	sld [smem:$0x3FD0];
	(tm) =	ssettm $0x1  }
0x94: {  	s6 =	sld [smem:$0x3FFB];
	_ =	sdelay $0x3  }
0x95: {  	_ =	strace s6  }
0x96: {  	s6 =	sld [smem:$0x3FFC];
	_ =	sdelay $0x3  }
0x97: {  	_ =	strace s6  }
0x98: {  	s6 =	sld [smem:$0x3FFD];
	_ =	sdelay $0x3  }
0x99: {  	_ =	strace s6  }
0x9a: {  	_ =	strace $0x8FFFFFFF  }
0x9b: {  	s20 =	sld [smem:$0x3FDB];
	_ =	sdelay $0x1  }
0x9c: {  	s7 =	simm.s32 $_scs_section_size  }
0x9d: {  	s8 =	simm.s32 $_size__tile_overlayer_lowered;
	s9 =	simm.s32 $_tile_overlayer_lowered  }
0x9e: {  	s23 =	simm.s32 $0x1BFF;
	s22 =	sshll.u32 s9, $0x1;
	s6 =	sadd.s32 s7, s20  }
0x9f: {  	s10 =	simm.s32 $0x0;
	s21 =	sshll.u32 s8, $0x1;
	s8 =	sadd.s32 s22, s6  }
0xa0: {  	[timem:s10], [sflag:s23] =	dma.local [hbm:s8], s21  }
0xa1: {  	_ =	swait.ge [sflag:s23], s21  }
0xa2: {  	s7 =	ssub.s32 $0x0, s21;
	[sflag:s23] =	ssyncset.done $0x0  }
0xa3: {  	[sflag:s23] =	ssyncadd.s32 s7;
	_ =	sdelay $0x1  }
0xa4: {  	s24 =	simm.s32 $0x1B8B  }
0xa5: {  	_ =	swait.ge [sflag:s24], $0x1  }
0xa6: {  	[sflag:s24] =	ssyncset.done $0x0  }
0xa7: {  	s25 =	simm.s32 $0x1B8E;
	[sflag:s24] =	ssyncadd.s32 $0xFFFFFFFF  }
0xa8: {  	s26 =	simm.s32 $execute0_lowered;
	[smem:$0x3FD2] =	sst s25  }
0xa9: {  	s7 =	sshll.u32 s26, $0x1;
	_ =	strace $0x80000046;
	[dreg:$0x1] =	wrdreg $0xFFFFFFFF  }
0xaa: {  	s28 =	simm.s32 $_size_execute0_lowered;
	s6 =	sadd.s32 s6, s7;
	[dreg:$0x0] =	wrdreg $0x0  }
0xab: {  	s7 =	sshll.u32 s28, $0x1;
	[dreg:$0x2] =	wrdreg s6  }
0xac: {  	[dreg:$0x3] =	wrdreg s7  }
0xad: {  	[dreg:$0x4] =	wrdreg $0xC0  }
0xae: {  	_ =	task [dreg:s10], $0x5FFFF  }
0xaf: {  	[dreg:$0x1] =	wrdreg $0xFFFFFFFF  }
0xb0: {  	[dreg:$0x0] =	wrdreg $0x60  }
0xb1: {  	[dreg:$0x2] =	wrdreg s2  }
0xb2: {  	[dreg:$0x3] =	wrdreg s19  }
0xb3: {  	[dreg:$0x4] =	wrdreg s4  }
0xb4: {  	[dreg:$0x5] =	wrdreg s5  }
0xb5: {  	[dreg:$0x6] =	wrdreg $0x9  }
0xb6: {  	_ =	task.clear_ibuf [dreg:s10], $0x7FFFF;
	_ =	strace $0x90000046  }
0xb7: {  	s29 =	simm.s32 $0x9;
	_ =	strace $0x80000048  }
0xb8: {  	_ =	swait.ge [sflag:s29], $0x1  }
0xb9: {  	[sflag:s29] =	ssyncadd.s32 $0xFFFFFFFF  }
0xba: {  	_ =	strace $0x90000048  }
0xbb: {  	_ =	sfence  }
0xbc: {  	s30 =	sld [smem:$0x0];
	_ =	sdelay $0x2  }
0xbd: {  	s31 =	sshll.u32 s1, $0xD;
	s1 =	sshrl.u32 s1, $0x2  }
0xbe: {  	s3 =	sand.u32 $0x4000, s31;
	s1 =	sadd.s32 s1, s30  }
0xbf: {  	s0 =	sor.u32 s3, s0;
	s1 =	sshll.u32 s1, $0x11  }
0xc0: {  	s0 =	sor.u32 s1, s0  }
0xc1: {  	s0 =	sadd.s32 $0x8F2B, s0  }
0xc2: {  	[sflag:s0] =	ssyncadd.remote.s32 $0x1  }
0xc3: {  	_ =	sfence.sel $0xFFFF  }
0xc4: {  	[dreg:$0x0] =	wrdreg $0xFFFFFFFF;
	(pc) =	sbr.abs _section_cstart, $3  }
0xc5: {  	[dreg:$0x1] =	wrdreg $0xFFFFFFFF  }
0xc6: {  	_ =	task.clear_ibuf [dreg:s10], $0x2FFFF;
	_ =	strace $0x9FFFFFFF  }
0xc7: {  	(tm) =	ssettm $0x7FFFFFFF  }
tec
execute0_lowered:
.L_overlay_start_1:
0x0: {  	(tag) =	ssettag $0x1  }
0x1: {  	s0 =	rddreg [dreg:$0x0]  }
0x2: {  	s1 =	srdreg.scid;
	s4 =	rddreg [dreg:$0x1]  }
0x3: {  	s2 =	stileid.u32;
	s5 =	rddreg [dreg:$0x2];
	s1 =	sand.u32 $0x1, s1  }
0x4: {  	s25 =	simm.s32 $0x1C000;
	s6 =	sshll.u32 s2, $0x9;
	s3 =	sshll.u32 s1, $0xD  }
0x5: {  	s2 =	rddreg [dreg:$0x3];
	s6 =	sor.u32 s6, s3;
	s3 =	simm.s32 $0x0  }
0x6: {  	s26 =	simm.s32 $0x1C200;
	s7 =	sshll.u32 s6, $0x6;
	[smem:$0x7FF] =	sst s3  }
0x7: {  	s6 =	sshrl.u32 s6, $0x3;
	_ =	strace $0x80000047;
	[dreg:$0x16] =	wrdreg s25  }
0x8: {  	s9 =	sadd.s32 s4, s6;
	[dreg:$0x17] =	wrdreg s26  }
0x9: {  	s10 =	sadd.s32 s5, s6;
	[dreg:$0x7] =	wrdreg s9  }
0xa: {  	s7 =	sadd.s32 s0, s7;
	[dreg:$0x8] =	wrdreg s10  }
0xb: {  	s0 =	sadd.s32 $0x800, s7;
	[dreg:$0x18] =	wrdreg s7  }
0xc: {  	s8 =	sadd.s32 $0x1000, s7;
	[dreg:$0x5] =	wrdreg s0  }
0xd: {  	s11 =	sadd.s32 $0x1800, s7;
	[dreg:$0x6] =	wrdreg s8  }
0xe: {  	s12 =	sadd.s32 $0x2000, s7;
	[dreg:$0x9] =	wrdreg s11  }
0xf: {  	s31 =	simm.s32 $0x8;
	s13 =	sadd.s32 $0x2800, s7;
	[dreg:$0xa] =	wrdreg s12  }
0x10: {  	s29 =	simm.s32 $0x18000;
	s14 =	sadd.s32 $0x3000, s7;
	[dreg:$0xb] =	wrdreg s13  }
0x11: {  	s28 =	simm.s32 $0x5;
	s15 =	sadd.s32 $0x3800, s7;
	[dreg:$0xc] =	wrdreg s14  }
0x12: {  	s30 =	simm.s32 $0x8000;
	s16 =	sadd.s32 $0x4000, s7;
	[dreg:$0xd] =	wrdreg s15  }
0x13: {  	s1 =	ssub.s32 $0x2, s1;
	s17 =	sadd.s32 $0x4800, s7;
	[dreg:$0xe] =	wrdreg s16  }
0x14: {  	s23 =	sshrl.u32 s1, $0x1;
	s18 =	sadd.s32 $0x5000, s7;
	[dreg:$0xf] =	wrdreg s17  }
0x15: {  	s1 =	ssub.s32 s1, s23;
	s19 =	sadd.s32 $0x5800, s7;
	[dreg:$0x10] =	wrdreg s18  }
0x16: {  	s5 =	sadd.s32 $0x100, s2;
	s20 =	sadd.s32 $0x6000, s7;
	[dreg:$0x11] =	wrdreg s19  }
0x17: {  	s6 =	smax.u32 s1, $0x1;
	s21 =	sadd.s32 $0x6800, s7;
	[dreg:$0x12] =	wrdreg s20  }
0x18: {  	s25 =	simm.s32 $0x4;
	s22 =	sadd.s32 $0x7000, s7;
	[dreg:$0x13] =	wrdreg s21  }
0x19: {  	s24 =	sadd.s32 $0x7800, s7;
	s10 =	simm.s32 $0xB800;
	[dreg:$0x14] =	wrdreg s22  }
0x1a: {  	v2 =	vlaneseq.u32;
	[dreg:$0x15] =	wrdreg s24;
	s12 =	simm.s32 $0x9;
	s19 =	simm.s32 $0x1  }
0x1b: {  	vm0 =	vmmov $0xffff;
	v1 =	vshrl.u32 v2, $0x3;
	s14 =	simm.s32 $0x10000;
	s15 =	simm.s32 $0x3;
	s16 =	simm.s32 $0x8800  }
0x1c: {  	v0 =	vand.u32 $0x7, v2;
	v2 =	vor.u32 $0x8, v2;
	v1 =	vmul.u32 $0x8, v1;
	s17 =	simm.s32 $0x9000;
	s20 =	simm.s32 $0x9800;
	s24 =	simm.s32 $0x14000  }
.LBB2_1:
0x1d: {  	s21 =	rddreg [dreg:$0x5]  }
0x1e: {  	s22 =	rddreg [dreg:$0x18]  }
0x1f: {  	[tilespmem:s3], [sflag:$0x1] =	stream.linear.gather [hbm4b:s22+s3], $0x4000, $0x38;
	[tilespmem:$0x1CC00] =	vst v63  }
0x20: {  	s0 =	simm.s32 $0x4000;
	s7 =	rddreg [dreg:$0x6]  }
0x21: {  	[tilespmem:s0], [sflag:$0x2] =	stream.linear.gather [hbm4b:s21+s3], $0x4000, $0x38;
	[tilespmem:$0x1CC00] =	vst v63  }
0x22: {  	s8 =	rddreg [dreg:$0x7];
	s9 =	simm.s32 $0x8000  }
0x23: {  	[tilespmem:s9], [sflag:$0x3] =	stream.linear.gather [hbm4b:s7+s3], $0x4000, $0x38;
	[tilespmem:$0x1CC00] =	vst v63  }
0x24: {  	s23 =	rddreg [dreg:$0x16];
	s11 =	simm.s32 $0xF  }
0x25: {  	[tilespmem:s23], [sflag:$0xF] =	stream.linear.gather [hbm4b:s8+s3], $0x200, $0x38;
	[tilespmem:$0x1CC00] =	vst v63  }
0x26: {  	_ =	swait.ge [sflag:s11], $0x200  }
0x27: {  	s13 =	rddreg [dreg:$0x8];
	[sflag:s11] =	ssyncset.done $0x0  }
0x28: {  	s18 =	rddreg [dreg:$0x17];
	[sflag:s11] =	ssyncadd.s32 $0xFFFFFE00  }
0x29: {  	[tilespmem:s18], [sflag:$0xF] =	stream.linear.gather [hbm4b:s13+s3], $0x200, $0x38;
	[tilespmem:$0x1CC00] =	vst v63  }
0x2a: {  	_ =	swait.ge [sflag:s11], $0x200  }
0x2b: {  	[sflag:s11] =	ssyncset.done $0x0  }
0x2c: {  	[sflag:s11] =	ssyncadd.s32 $0xFFFFFE00  }
0x2d: {  	v3 =	vld [tilespmem:$0x1C200]  }
0x2e: {  	v4 =	vld [tilespmem:$0x1C000]  }
0x2f: {  	v5 =	vld [tilespmem:$0x1C210]  }
0x30: {  	v6 =	vld [tilespmem:$0x1C010]  }
0x31: {  	v7 =	vld [tilespmem:$0x1C220]  }
0x32: {  	v8 =	vld [tilespmem:$0x1C020]  }
0x33: {  	v9 =	vld [tilespmem:$0x1C230]  }
0x34: {  	v10 =	vld [tilespmem:$0x1C030]  }
0x35: {  	v11 =	vld [tilespmem:$0x1C240]  }
0x36: {  	v12 =	vld [tilespmem:$0x1C040]  }
0x37: {  	v13 =	vld [tilespmem:$0x1C250]  }
0x38: {  	v14 =	vld [tilespmem:$0x1C050]  }
0x39: {  	v15 =	vld [tilespmem:$0x1C260]  }
0x3a: {  	v16 =	vld [tilespmem:$0x1C060]  }
0x3b: {  	v17 =	vld [tilespmem:$0x1C270]  }
0x3c: {  	v18 =	vld [tilespmem:$0x1C070]  }
0x3d: {  	v19 =	vld [tilespmem:$0x1C280]  }
0x3e: {  	v20 =	vld [tilespmem:$0x1C080]  }
0x3f: {  	v21 =	vld [tilespmem:$0x1C290]  }
0x40: {  	v22 =	vld [tilespmem:$0x1C090]  }
0x41: {  	v23 =	vld [tilespmem:$0x1C2A0]  }
0x42: {  	v24 =	vld [tilespmem:$0x1C0A0]  }
0x43: {  	v25 =	vld [tilespmem:$0x1C2B0]  }
0x44: {  	v26 =	vld [tilespmem:$0x1C0B0]  }
0x45: {  	v27 =	vld [tilespmem:$0x1C2C0]  }
0x46: {  	v28 =	vld [tilespmem:$0x1C0C0]  }
0x47: {  	v29 =	vld [tilespmem:$0x1C2D0]  }
0x48: {  	v30 =	vld [tilespmem:$0x1C0D0]  }
0x49: {  	v31 =	vld [tilespmem:$0x1C2E0]  }
0x4a: {  	v32 =	vld [tilespmem:$0x1C0E0]  }
0x4b: {  	v33 =	vld [tilespmem:$0x1C2F0]  }
0x4c: {  	v34 =	vld [tilespmem:$0x1C0F0]  }
0x4d: {  	v35 =	vld [tilespmem:$0x1C300]  }
0x4e: {  	v36 =	vld [tilespmem:$0x1C100]  }
0x4f: {  	v37 =	vld [tilespmem:$0x1C310]  }
0x50: {  	v38 =	vld [tilespmem:$0x1C110]  }
0x51: {  	v39 =	vld [tilespmem:$0x1C320];
	v3 =	vshll.u32 v3, $0xB  }
0x52: {  	v60 =	vld [tilespmem:$0x1C360];
	v52 =	vshll.u32 v5, $0xB;
	v3 =	vadd.s32 v4, v3  }
0x53: {  	v63 =	vld [tilespmem:$0x1C370];
	v53 =	vshll.u32 v7, $0xB;
	[tilespmem:$0x1C400] =	vst v3;
	v3 =	vadd.s32 v6, v52  }
0x54: {  	v41 =	vld [tilespmem:$0x1C380];
	v54 =	vshll.u32 v9, $0xB;
	[tilespmem:$0x1C410] =	vst v3;
	v3 =	vadd.s32 v8, v53  }
0x55: {  	v43 =	vld [tilespmem:$0x1C180];
	v55 =	vshll.u32 v11, $0xB;
	[tilespmem:$0x1C480] =	vst v3;
	v3 =	vadd.s32 v10, v54  }
0x56: {  	v45 =	vld [tilespmem:$0x1C390];
	v56 =	vshll.u32 v13, $0xB;
	[tilespmem:$0x1C490] =	vst v3;
	v3 =	vadd.s32 v12, v55  }
0x57: {  	v47 =	vld [tilespmem:$0x1C190];
	v57 =	vshll.u32 v15, $0xB;
	[tilespmem:$0x1C500] =	vst v3;
	v3 =	vadd.s32 v14, v56  }
0x58: {  	v49 =	vld [tilespmem:$0x1C3A0];
	v58 =	vshll.u32 v17, $0xB;
	[tilespmem:$0x1C510] =	vst v3;
	v3 =	vadd.s32 v16, v57  }
0x59: {  	v51 =	vld [tilespmem:$0x1C1A0];
	v59 =	vshll.u32 v19, $0xB;
	[tilespmem:$0x1C580] =	vst v3;
	v3 =	vadd.s32 v18, v58  }
0x5a: {  	v5 =	vld [tilespmem:$0x1C120];
	v61 =	vshll.u32 v21, $0xB;
	[tilespmem:$0x1C590] =	vst v3;
	v3 =	vadd.s32 v20, v59  }
0x5b: {  	v7 =	vld [tilespmem:$0x1C130];
	v62 =	vshll.u32 v23, $0xB;
	[tilespmem:$0x1C600] =	vst v3;
	v3 =	vadd.s32 v22, v61  }
0x5c: {  	v9 =	vld [tilespmem:$0x1C140];
	[tilespmem:$0x1C610] =	vst v3;
	v3 =	vadd.s32 v24, v62;
	v24 =	vshll.u32 v25, $0xB  }
0x5d: {  	v11 =	vld [tilespmem:$0x1C150];
	v40 =	vshll.u32 v27, $0xB;
	[tilespmem:$0x1C680] =	vst v3;
	v3 =	vadd.s32 v26, v24  }
0x5e: {  	v13 =	vld [tilespmem:$0x1C160];
	v42 =	vshll.u32 v29, $0xB;
	[tilespmem:$0x1C690] =	vst v3;
	v3 =	vadd.s32 v28, v40  }
0x5f: {  	v44 =	vshll.u32 v31, $0xB;
	v6 =	vld [tilespmem:$0x1C330];
	[tilespmem:$0x1C700] =	vst v3;
	v3 =	vadd.s32 v30, v42  }
0x60: {  	v46 =	vshll.u32 v33, $0xB;
	v8 =	vld [tilespmem:$0x1C340];
	[tilespmem:$0x1C710] =	vst v3;
	v3 =	vadd.s32 v32, v44  }
0x61: {  	v48 =	vshll.u32 v35, $0xB;
	v10 =	vld [tilespmem:$0x1C350];
	[tilespmem:$0x1C780] =	vst v3;
	v3 =	vadd.s32 v34, v46  }
0x62: {  	v50 =	vshll.u32 v37, $0xB;
	v23 =	vld [tilespmem:$0x1C1E0];
	[tilespmem:$0x1C790] =	vst v3;
	v3 =	vadd.s32 v36, v48  }
0x63: {  	v52 =	vshll.u32 v39, $0xB;
	v53 =	vld [tilespmem:$0x1C3B0];
	[tilespmem:$0x1C800] =	vst v3;
	v3 =	vadd.s32 v38, v50  }
0x64: {  	v54 =	vshll.u32 v6, $0xB;
	v25 =	vld [tilespmem:$0x1C170];
	[tilespmem:$0x1C810] =	vst v3;
	v3 =	vadd.s32 v5, v52  }
0x65: {  	v55 =	vld [tilespmem:$0x1C1B0];
	v56 =	vshll.u32 v8, $0xB;
	[tilespmem:$0x1C880] =	vst v3;
	v3 =	vadd.s32 v7, v54  }
0x66: {  	v57 =	vld [tilespmem:$0x1C3C0];
	v58 =	vshll.u32 v10, $0xB;
	[tilespmem:$0x1C890] =	vst v3;
	v3 =	vadd.s32 v9, v56  }
0x67: {  	v60 =	vshll.u32 v60, $0xB;
	v16 =	vld [tilespmem:$0x1C3E0];
	[tilespmem:$0x1C900] =	vst v3;
	v3 =	vadd.s32 v11, v58  }
0x68: {  	v59 =	vld [tilespmem:$0x1C1C0];
	v62 =	vshll.u32 v63, $0xB;
	[tilespmem:$0x1C910] =	vst v3;
	v3 =	vadd.s32 v13, v60  }
0x69: {  	v15 =	vshll.u32 v41, $0xB;
	v61 =	vld [tilespmem:$0x1C3D0];
	[tilespmem:$0x1C980] =	vst v3;
	v3 =	vadd.s32 v25, v62  }
0x6a: {  	v18 =	vshll.u32 v45, $0xB;
	v63 =	vld [tilespmem:$0x1C1D0];
	[tilespmem:$0x1C990] =	vst v3;
	v3 =	vadd.s32 v43, v15  }
0x6b: {  	v24 =	vshll.u32 v49, $0xB;
	v25 =	vld [tilespmem:$0x1C3F0];
	[tilespmem:$0x1CA00] =	vst v3;
	v3 =	vadd.s32 v47, v18  }
0x6c: {  	v27 =	vld [tilespmem:$0x1C1F0];
	v26 =	vshll.u32 v53, $0xB;
	[tilespmem:$0x1CA10] =	vst v3;
	v3 =	vadd.s32 v51, v24  }
0x6d: {  	v28 =	vshll.u32 v57, $0xB;
	[tilespmem:$0x1CA80] =	vst v3;
	v3 =	vadd.s32 v55, v26  }
0x6e: {  	v29 =	vshll.u32 v61, $0xB;
	[tilespmem:$0x1CA90] =	vst v3;
	v3 =	vadd.s32 v59, v28  }
0x6f: {  	v30 =	vshll.u32 v16, $0xB;
	[tilespmem:$0x1CB00] =	vst v3;
	v3 =	vadd.s32 v63, v29  }
0x70: {  	v31 =	vshll.u32 v25, $0xB;
	[tilespmem:$0x1CB10] =	vst v3;
	v3 =	vadd.s32 v23, v30  }
0x71: {  	[tilespmem:$0x1CB80] =	vst v3;
	v3 =	vadd.s32 v27, v31  }
0x72: {  	[tilespmem:$0x1CB90] =	vst v3  }
0x73: {  	_ =	swait.ge [sflag:s19], $0x4000  }
0x74: {  	[sflag:s19] =	ssyncset.done $0x0  }
0x75: {  	[sflag:s19] =	ssyncadd.s32 $0xFFFFC000  }
0x76: {  	v3 =	vld [tilespmem:$0x1C400];
	_ =	sdelay $0x4  }
0x77: {  	v32 =	vshll.u32 v3, $0x2  }
0x78: {  	v3 =	vand.u32 $0x7, v3;
	v4 =	vand.u32 $0xFFFFFFE0, v32  }
0x79: {  	v3 =	vor.u32 v3, v4  }
0x7a: {  	v4 =	vperm.xlane v3, v0;
	_ =	sdelay $0x1  }
0x7b: {  	v4 =	vadd.s32 v1, v4;
	_ =	sdelay $0x1  }
0x7c: {  	v3 =	vperm.xlane v3, v2;
	_ =	sdelay $0x1  }
0x7d: {  	v3 =	vadd.s32 v1, v3  }
0x7e: {  	[hbm4b:s2+s3] =	stream.indirect_vreg.scatter [tilespmem:s3], [sflag:$0x8], $0x80, v4, vm0, $0xb8;
	[tilespmem:$0x1CC00] =	vst v63  }
0x7f: {  	s22 =	simm.s32 $0x800  }
0x80: {  	[hbm4b:s5+s3] =	stream.indirect_vreg.scatter [tilespmem:s22], [sflag:$0x8], $0x80, v4, vm0, $0xb8;
	[tilespmem:$0x1CC00] =	vst v63  }
0x81: {  	s23 =	simm.s32 $0x1000  }
0x82: {  	[hbm4b:s2+s3] =	stream.indirect_vreg.scatter [tilespmem:s23], [sflag:$0x8], $0x80, v3, vm0, $0xb8;
	[tilespmem:$0x1CC00] =	vst v63  }
0x83: {  	s26 =	simm.s32 $0x1800  }
0x84: {  	[hbm4b:s5+s3] =	stream.indirect_vreg.scatter [tilespmem:s26], [sflag:$0x8], $0x80, v3, vm0, $0xb8;
	[tilespmem:$0x1CC00] =	vst v63  }
0x85: {  	v3 =	vld [tilespmem:$0x1C410];
	_ =	sdelay $0x4  }
0x86: {  	v33 =	vshll.u32 v3, $0x2  }
0x87: {  	v3 =	vand.u32 $0x7, v3;
	v4 =	vand.u32 $0xFFFFFFE0, v33  }
0x88: {  	v3 =	vor.u32 v3, v4  }
0x89: {  	v4 =	vperm.xlane v3, v0;
	_ =	sdelay $0x1  }
0x8a: {  	v4 =	vadd.s32 v1, v4;
	_ =	sdelay $0x1  }
0x8b: {  	v3 =	vperm.xlane v3, v2;
	_ =	sdelay $0x1  }
0x8c: {  	s1 =	simm.s32 $0x2000;
	v3 =	vadd.s32 v1, v3  }
0x8d: {  	[hbm4b:s2+s3] =	stream.indirect_vreg.scatter [tilespmem:s1], [sflag:$0x8], $0x80, v4, vm0, $0xb8;
	[tilespmem:$0x1CC00] =	vst v63  }
0x8e: {  	s4 =	simm.s32 $0x2800  }
0x8f: {  	[hbm4b:s5+s3] =	stream.indirect_vreg.scatter [tilespmem:s4], [sflag:$0x8], $0x80, v4, vm0, $0xb8;
	[tilespmem:$0x1CC00] =	vst v63  }
0x90: {  	s7 =	simm.s32 $0x3000  }
0x91: {  	[hbm4b:s2+s3] =	stream.indirect_vreg.scatter [tilespmem:s7], [sflag:$0x8], $0x80, v3, vm0, $0xb8;
	[tilespmem:$0x1CC00] =	vst v63  }
0x92: {  	s9 =	simm.s32 $0x3800  }
0x93: {  	[hbm4b:s5+s3] =	stream.indirect_vreg.scatter [tilespmem:s9], [sflag:$0x8], $0x80, v3, vm0, $0xb8;
	[tilespmem:$0x1CC00] =	vst v63  }
0x94: {  	s0 =	simm.s32 $0xC000;
	s8 =	rddreg [dreg:$0x9];
	s4 =	simm.s32 $0x2  }
0x95: {  	[tilespmem:s0], [sflag:$0x4] =	stream.linear.gather [hbm4b:s8+s3], $0x4000, $0x38;
	[tilespmem:$0x1CC00] =	vst v63  }
0x96: {  	_ =	swait.ge [sflag:s4], $0x4000  }
0x97: {  	[sflag:s4] =	ssyncset.done $0x0  }
0x98: {  	[sflag:s4] =	ssyncadd.s32 $0xFFFFC000  }
0x99: {  	v3 =	vld [tilespmem:$0x1C480];
	_ =	sdelay $0x4  }
0x9a: {  	v34 =	vshll.u32 v3, $0x2  }
0x9b: {  	v3 =	vand.u32 $0x7, v3;
	v4 =	vand.u32 $0xFFFFFFE0, v34  }
0x9c: {  	v3 =	vor.u32 v3, v4  }
0x9d: {  	v4 =	vperm.xlane v3, v0;
	_ =	sdelay $0x1  }
0x9e: {  	v4 =	vadd.s32 v1, v4;
	_ =	sdelay $0x1  }
0x9f: {  	v3 =	vperm.xlane v3, v2;
	_ =	sdelay $0x1  }
0xa0: {  	s7 =	simm.s32 $0x4000;
	v3 =	vadd.s32 v1, v3  }
0xa1: {  	[hbm4b:s2+s3] =	stream.indirect_vreg.scatter [tilespmem:s7], [sflag:$0x9], $0x80, v4, vm0, $0xb8;
	[tilespmem:$0x1CC00] =	vst v63  }
0xa2: {  	s1 =	simm.s32 $0x4800  }
0xa3: {  	[hbm4b:s5+s3] =	stream.indirect_vreg.scatter [tilespmem:s1], [sflag:$0x9], $0x80, v4, vm0, $0xb8;
	[tilespmem:$0x1CC00] =	vst v63  }
0xa4: {  	s11 =	simm.s32 $0x5000  }
0xa5: {  	[hbm4b:s2+s3] =	stream.indirect_vreg.scatter [tilespmem:s11], [sflag:$0x9], $0x80, v3, vm0, $0xb8;
	[tilespmem:$0x1CC00] =	vst v63  }
0xa6: {  	s13 =	simm.s32 $0x5800  }
0xa7: {  	[hbm4b:s5+s3] =	stream.indirect_vreg.scatter [tilespmem:s13], [sflag:$0x9], $0x80, v3, vm0, $0xb8;
	[tilespmem:$0x1CC00] =	vst v63  }
0xa8: {  	v3 =	vld [tilespmem:$0x1C490];
	_ =	sdelay $0x4  }
0xa9: {  	v35 =	vshll.u32 v3, $0x2  }
0xaa: {  	v3 =	vand.u32 $0x7, v3;
	v4 =	vand.u32 $0xFFFFFFE0, v35  }
0xab: {  	v3 =	vor.u32 v3, v4  }
0xac: {  	v4 =	vperm.xlane v3, v0;
	_ =	sdelay $0x1  }
0xad: {  	v4 =	vadd.s32 v1, v4;
	_ =	sdelay $0x1  }
0xae: {  	v3 =	vperm.xlane v3, v2;
	_ =	sdelay $0x1  }
0xaf: {  	s18 =	simm.s32 $0x6000;
	v3 =	vadd.s32 v1, v3  }
0xb0: {  	[hbm4b:s2+s3] =	stream.indirect_vreg.scatter [tilespmem:s18], [sflag:$0x9], $0x80, v4, vm0, $0xb8;
	[tilespmem:$0x1CC00] =	vst v63  }
0xb1: {  	s21 =	simm.s32 $0x6800  }
0xb2: {  	[hbm4b:s5+s3] =	stream.indirect_vreg.scatter [tilespmem:s21], [sflag:$0x9], $0x80, v4, vm0, $0xb8;
	[tilespmem:$0x1CC00] =	vst v63  }
0xb3: {  	s22 =	simm.s32 $0x7000  }
0xb4: {  	[hbm4b:s2+s3] =	stream.indirect_vreg.scatter [tilespmem:s22], [sflag:$0x9], $0x80, v3, vm0, $0xb8;
	[tilespmem:$0x1CC00] =	vst v63  }
0xb5: {  	s8 =	simm.s32 $0x7800  }
0xb6: {  	[hbm4b:s5+s3] =	stream.indirect_vreg.scatter [tilespmem:s8], [sflag:$0x9], $0x80, v3, vm0, $0xb8;
	[tilespmem:$0x1CC00] =	vst v63  }
0xb7: {  	s23 =	rddreg [dreg:$0xa]  }
0xb8: {  	[tilespmem:s14], [sflag:$0x5] =	stream.linear.gather [hbm4b:s23+s3], $0x4000, $0x38;
	[tilespmem:$0x1CC00] =	vst v63  }
0xb9: {  	_ =	swait.ge [sflag:s15], $0x4000  }
0xba: {  	[sflag:s15] =	ssyncset.done $0x0  }
0xbb: {  	[sflag:s15] =	ssyncadd.s32 $0xFFFFC000  }
0xbc: {  	v3 =	vld [tilespmem:$0x1C500];
	_ =	sdelay $0x4  }
0xbd: {  	v36 =	vshll.u32 v3, $0x2  }
0xbe: {  	v3 =	vand.u32 $0x7, v3;
	v4 =	vand.u32 $0xFFFFFFE0, v36  }
0xbf: {  	v3 =	vor.u32 v3, v4  }
0xc0: {  	v4 =	vperm.xlane v3, v0;
	_ =	sdelay $0x1  }
0xc1: {  	v4 =	vadd.s32 v1, v4;
	_ =	sdelay $0x1  }
0xc2: {  	v3 =	vperm.xlane v3, v2;
	_ =	sdelay $0x1  }
0xc3: {  	s18 =	simm.s32 $0x8000;
	v3 =	vadd.s32 v1, v3  }
0xc4: {  	[hbm4b:s2+s3] =	stream.indirect_vreg.scatter [tilespmem:s18], [sflag:$0xA], $0x80, v4, vm0, $0xb8;
	[tilespmem:$0x1CC00] =	vst v63  }
0xc5: {  	_ = 	snop  }
0xc6: {  	[hbm4b:s5+s3] =	stream.indirect_vreg.scatter [tilespmem:s16], [sflag:$0xA], $0x80, v4, vm0, $0xb8;
	[tilespmem:$0x1CC00] =	vst v63  }
0xc7: {  	_ = 	snop  }
0xc8: {  	[hbm4b:s2+s3] =	stream.indirect_vreg.scatter [tilespmem:s17], [sflag:$0xA], $0x80, v3, vm0, $0xb8;
	[tilespmem:$0x1CC00] =	vst v63  }
0xc9: {  	_ = 	snop  }
0xca: {  	[hbm4b:s5+s3] =	stream.indirect_vreg.scatter [tilespmem:s20], [sflag:$0xA], $0x80, v3, vm0, $0xb8;
	[tilespmem:$0x1CC00] =	vst v63  }
0xcb: {  	v3 =	vld [tilespmem:$0x1C510];
	_ =	sdelay $0x4  }
0xcc: {  	v37 =	vshll.u32 v3, $0x2  }
0xcd: {  	v3 =	vand.u32 $0x7, v3;
	v4 =	vand.u32 $0xFFFFFFE0, v37  }
0xce: {  	v3 =	vor.u32 v3, v4  }
0xcf: {  	v4 =	vperm.xlane v3, v0;
	_ =	sdelay $0x1  }
0xd0: {  	v4 =	vadd.s32 v1, v4;
	_ =	sdelay $0x1  }
0xd1: {  	v3 =	vperm.xlane v3, v2;
	_ =	sdelay $0x1  }
0xd2: {  	s1 =	simm.s32 $0xA000;
	v3 =	vadd.s32 v1, v3  }
0xd3: {  	[hbm4b:s2+s3] =	stream.indirect_vreg.scatter [tilespmem:s1], [sflag:$0xA], $0x80, v4, vm0, $0xb8;
	[tilespmem:$0x1CC00] =	vst v63  }
0xd4: {  	s22 =	simm.s32 $0xA800  }
0xd5: {  	[hbm4b:s5+s3] =	stream.indirect_vreg.scatter [tilespmem:s22], [sflag:$0xA], $0x80, v4, vm0, $0xb8;
	[tilespmem:$0x1CC00] =	vst v63  }
0xd6: {  	s8 =	simm.s32 $0xB000  }
0xd7: {  	[hbm4b:s2+s3] =	stream.indirect_vreg.scatter [tilespmem:s8], [sflag:$0xA], $0x80, v3, vm0, $0xb8;
	[tilespmem:$0x1CC00] =	vst v63  }
0xd8: {  	_ = 	snop  }
0xd9: {  	[hbm4b:s5+s3] =	stream.indirect_vreg.scatter [tilespmem:s10], [sflag:$0xA], $0x80, v3, vm0, $0xb8;
	[tilespmem:$0x1CC00] =	vst v63  }
0xda: {  	s9 =	rddreg [dreg:$0xb]  }
0xdb: {  	[tilespmem:s24], [sflag:$0x6] =	stream.linear.gather [hbm4b:s9+s3], $0x4000, $0x38;
	[tilespmem:$0x1CC00] =	vst v63  }
0xdc: {  	_ =	swait.ge [sflag:s25], $0x4000  }
0xdd: {  	[sflag:s25] =	ssyncset.done $0x0  }
0xde: {  	[sflag:s25] =	ssyncadd.s32 $0xFFFFC000  }
0xdf: {  	v3 =	vld [tilespmem:$0x1C580];
	_ =	sdelay $0x4  }
0xe0: {  	v38 =	vshll.u32 v3, $0x2  }
0xe1: {  	v3 =	vand.u32 $0x7, v3;
	v4 =	vand.u32 $0xFFFFFFE0, v38  }
0xe2: {  	v3 =	vor.u32 v3, v4  }
0xe3: {  	v4 =	vperm.xlane v3, v0;
	_ =	sdelay $0x1  }
0xe4: {  	v4 =	vadd.s32 v1, v4;
	_ =	sdelay $0x1  }
0xe5: {  	v3 =	vperm.xlane v3, v2;
	_ =	sdelay $0x1  }
0xe6: {  	v3 =	vadd.s32 v1, v3  }
0xe7: {  	[hbm4b:s2+s3] =	stream.indirect_vreg.scatter [tilespmem:s0], [sflag:$0xB], $0x80, v4, vm0, $0xb8;
	[tilespmem:$0x1CC00] =	vst v63  }
0xe8: {  	s9 =	simm.s32 $0xC800  }
0xe9: {  	[hbm4b:s5+s3] =	stream.indirect_vreg.scatter [tilespmem:s9], [sflag:$0xB], $0x80, v4, vm0, $0xb8;
	[tilespmem:$0x1CC00] =	vst v63  }
0xea: {  	s11 =	simm.s32 $0xD000  }
0xeb: {  	[hbm4b:s2+s3] =	stream.indirect_vreg.scatter [tilespmem:s11], [sflag:$0xB], $0x80, v3, vm0, $0xb8;
	[tilespmem:$0x1CC00] =	vst v63  }
0xec: {  	s13 =	simm.s32 $0xD800  }
0xed: {  	[hbm4b:s5+s3] =	stream.indirect_vreg.scatter [tilespmem:s13], [sflag:$0xB], $0x80, v3, vm0, $0xb8;
	[tilespmem:$0x1CC00] =	vst v63  }
0xee: {  	v3 =	vld [tilespmem:$0x1C590];
	_ =	sdelay $0x4  }
0xef: {  	v39 =	vshll.u32 v3, $0x2  }
0xf0: {  	v3 =	vand.u32 $0x7, v3;
	v4 =	vand.u32 $0xFFFFFFE0, v39  }
0xf1: {  	v3 =	vor.u32 v3, v4  }
0xf2: {  	v4 =	vperm.xlane v3, v0;
	_ =	sdelay $0x1  }
0xf3: {  	v4 =	vadd.s32 v1, v4;
	_ =	sdelay $0x1  }
0xf4: {  	v3 =	vperm.xlane v3, v2;
	_ =	sdelay $0x1  }
0xf5: {  	s21 =	simm.s32 $0xE000;
	v3 =	vadd.s32 v1, v3  }
0xf6: {  	[hbm4b:s2+s3] =	stream.indirect_vreg.scatter [tilespmem:s21], [sflag:$0xB], $0x80, v4, vm0, $0xb8;
	[tilespmem:$0x1CC00] =	vst v63  }
0xf7: {  	s23 =	simm.s32 $0xE800  }
0xf8: {  	[hbm4b:s5+s3] =	stream.indirect_vreg.scatter [tilespmem:s23], [sflag:$0xB], $0x80, v4, vm0, $0xb8;
	[tilespmem:$0x1CC00] =	vst v63  }
0xf9: {  	s11 =	simm.s32 $0xF000  }
0xfa: {  	[hbm4b:s2+s3] =	stream.indirect_vreg.scatter [tilespmem:s11], [sflag:$0xB], $0x80, v3, vm0, $0xb8;
	[tilespmem:$0x1CC00] =	vst v63  }
0xfb: {  	s23 =	simm.s32 $0xF800  }
0xfc: {  	[hbm4b:s5+s3] =	stream.indirect_vreg.scatter [tilespmem:s23], [sflag:$0xB], $0x80, v3, vm0, $0xb8;
	[tilespmem:$0x1CC00] =	vst v63  }
0xfd: {  	s13 =	rddreg [dreg:$0xc]  }
0xfe: {  	[tilespmem:s29], [sflag:$0x7] =	stream.linear.gather [hbm4b:s13+s3], $0x4000, $0x38;
	[tilespmem:$0x1CC00] =	vst v63  }
0xff: {  	_ =	swait.ge [sflag:s28], $0x4000  }
0x100: {  	[sflag:s28] =	ssyncset.done $0x0  }
0x101: {  	[sflag:s28] =	ssyncadd.s32 $0xFFFFC000  }
0x102: {  	v3 =	vld [tilespmem:$0x1C600];
	_ =	sdelay $0x4  }
0x103: {  	v40 =	vshll.u32 v3, $0x2  }
0x104: {  	v3 =	vand.u32 $0x7, v3;
	v4 =	vand.u32 $0xFFFFFFE0, v40  }
0x105: {  	v3 =	vor.u32 v3, v4  }
0x106: {  	v4 =	vperm.xlane v3, v0;
	_ =	sdelay $0x1  }
0x107: {  	v4 =	vadd.s32 v1, v4;
	_ =	sdelay $0x1  }
0x108: {  	v3 =	vperm.xlane v3, v2;
	_ =	sdelay $0x1  }
0x109: {  	v3 =	vadd.s32 v1, v3  }
0x10a: {  	[hbm4b:s2+s3] =	stream.indirect_vreg.scatter [tilespmem:s14], [sflag:$0xC], $0x80, v4, vm0, $0xb8;
	[tilespmem:$0x1CC00] =	vst v63  }
0x10b: {  	s21 =	simm.s32 $0x10800  }
0x10c: {  	[hbm4b:s5+s3] =	stream.indirect_vreg.scatter [tilespmem:s21], [sflag:$0xC], $0x80, v4, vm0, $0xb8;
	[tilespmem:$0x1CC00] =	vst v63  }
0x10d: {  	s11 =	simm.s32 $0x11000  }
0x10e: {  	[hbm4b:s2+s3] =	stream.indirect_vreg.scatter [tilespmem:s11], [sflag:$0xC], $0x80, v3, vm0, $0xb8;
	[tilespmem:$0x1CC00] =	vst v63  }
0x10f: {  	s13 =	simm.s32 $0x11800  }
0x110: {  	[hbm4b:s5+s3] =	stream.indirect_vreg.scatter [tilespmem:s13], [sflag:$0xC], $0x80, v3, vm0, $0xb8;
	[tilespmem:$0x1CC00] =	vst v63  }
0x111: {  	v3 =	vld [tilespmem:$0x1C610];
	_ =	sdelay $0x4  }
0x112: {  	v41 =	vshll.u32 v3, $0x2  }
0x113: {  	v3 =	vand.u32 $0x7, v3;
	v4 =	vand.u32 $0xFFFFFFE0, v41  }
0x114: {  	v3 =	vor.u32 v3, v4  }
0x115: {  	v4 =	vperm.xlane v3, v0;
	_ =	sdelay $0x1  }
0x116: {  	v4 =	vadd.s32 v1, v4;
	_ =	sdelay $0x1  }
0x117: {  	v3 =	vperm.xlane v3, v2;
	_ =	sdelay $0x1  }
0x118: {  	s21 =	simm.s32 $0x12000;
	v3 =	vadd.s32 v1, v3  }
0x119: {  	[hbm4b:s2+s3] =	stream.indirect_vreg.scatter [tilespmem:s21], [sflag:$0xC], $0x80, v4, vm0, $0xb8;
	[tilespmem:$0x1CC00] =	vst v63  }
0x11a: {  	s11 =	simm.s32 $0x12800  }
0x11b: {  	[hbm4b:s5+s3] =	stream.indirect_vreg.scatter [tilespmem:s11], [sflag:$0xC], $0x80, v4, vm0, $0xb8;
	[tilespmem:$0x1CC00] =	vst v63  }
0x11c: {  	s13 =	simm.s32 $0x13000  }
0x11d: {  	[hbm4b:s2+s3] =	stream.indirect_vreg.scatter [tilespmem:s13], [sflag:$0xC], $0x80, v3, vm0, $0xb8;
	[tilespmem:$0x1CC00] =	vst v63  }
0x11e: {  	s21 =	simm.s32 $0x13800  }
0x11f: {  	[hbm4b:s5+s3] =	stream.indirect_vreg.scatter [tilespmem:s21], [sflag:$0xC], $0x80, v3, vm0, $0xb8;
	[tilespmem:$0x1CC00] =	vst v63  }
0x120: {  	_ =	swait.ge [sflag:s31], $0x4000  }
0x121: {  	[sflag:s31] =	ssyncset.done $0x0  }
0x122: {  	s9 =	simm.s32 $0x6;
	s11 =	rddreg [dreg:$0xd];
	[sflag:s31] =	ssyncadd.s32 $0xFFFFC000  }
0x123: {  	[tilespmem:s3], [sflag:$0x1] =	stream.linear.gather [hbm4b:s11+s3], $0x4000, $0x38;
	[tilespmem:$0x1CC00] =	vst v63  }
0x124: {  	_ =	swait.ge [sflag:s9], $0x4000  }
0x125: {  	[sflag:s9] =	ssyncset.done $0x0  }
0x126: {  	[sflag:s9] =	ssyncadd.s32 $0xFFFFC000  }
0x127: {  	v3 =	vld [tilespmem:$0x1C680];
	_ =	sdelay $0x4  }
0x128: {  	v42 =	vshll.u32 v3, $0x2  }
0x129: {  	v3 =	vand.u32 $0x7, v3;
	v4 =	vand.u32 $0xFFFFFFE0, v42  }
0x12a: {  	v3 =	vor.u32 v3, v4  }
0x12b: {  	v4 =	vperm.xlane v3, v0;
	_ =	sdelay $0x1  }
0x12c: {  	v4 =	vadd.s32 v1, v4;
	_ =	sdelay $0x1  }
0x12d: {  	v3 =	vperm.xlane v3, v2;
	_ =	sdelay $0x1  }
0x12e: {  	v3 =	vadd.s32 v1, v3  }
0x12f: {  	[hbm4b:s2+s3] =	stream.indirect_vreg.scatter [tilespmem:s24], [sflag:$0xD], $0x80, v4, vm0, $0xb8;
	[tilespmem:$0x1CC00] =	vst v63  }
0x130: {  	s11 =	simm.s32 $0x14800  }
0x131: {  	[hbm4b:s5+s3] =	stream.indirect_vreg.scatter [tilespmem:s11], [sflag:$0xD], $0x80, v4, vm0, $0xb8;
	[tilespmem:$0x1CC00] =	vst v63  }
0x132: {  	s13 =	simm.s32 $0x15000  }
0x133: {  	[hbm4b:s2+s3] =	stream.indirect_vreg.scatter [tilespmem:s13], [sflag:$0xD], $0x80, v3, vm0, $0xb8;
	[tilespmem:$0x1CC00] =	vst v63  }
0x134: {  	s21 =	simm.s32 $0x15800  }
0x135: {  	[hbm4b:s5+s3] =	stream.indirect_vreg.scatter [tilespmem:s21], [sflag:$0xD], $0x80, v3, vm0, $0xb8;
	[tilespmem:$0x1CC00] =	vst v63  }
0x136: {  	v3 =	vld [tilespmem:$0x1C690];
	_ =	sdelay $0x4  }
0x137: {  	v43 =	vshll.u32 v3, $0x2  }
0x138: {  	v3 =	vand.u32 $0x7, v3;
	v4 =	vand.u32 $0xFFFFFFE0, v43  }
0x139: {  	v3 =	vor.u32 v3, v4  }
0x13a: {  	v4 =	vperm.xlane v3, v0;
	_ =	sdelay $0x1  }
0x13b: {  	v4 =	vadd.s32 v1, v4;
	_ =	sdelay $0x1  }
0x13c: {  	v3 =	vperm.xlane v3, v2;
	_ =	sdelay $0x1  }
0x13d: {  	s13 =	simm.s32 $0x16000;
	v3 =	vadd.s32 v1, v3  }
0x13e: {  	[hbm4b:s2+s3] =	stream.indirect_vreg.scatter [tilespmem:s13], [sflag:$0xD], $0x80, v4, vm0, $0xb8;
	[tilespmem:$0x1CC00] =	vst v63  }
0x13f: {  	s21 =	simm.s32 $0x16800  }
0x140: {  	[hbm4b:s5+s3] =	stream.indirect_vreg.scatter [tilespmem:s21], [sflag:$0xD], $0x80, v4, vm0, $0xb8;
	[tilespmem:$0x1CC00] =	vst v63  }
0x141: {  	s13 =	simm.s32 $0x17000  }
0x142: {  	[hbm4b:s2+s3] =	stream.indirect_vreg.scatter [tilespmem:s13], [sflag:$0xD], $0x80, v3, vm0, $0xb8;
	[tilespmem:$0x1CC00] =	vst v63  }
0x143: {  	s21 =	simm.s32 $0x17800  }
0x144: {  	[hbm4b:s5+s3] =	stream.indirect_vreg.scatter [tilespmem:s21], [sflag:$0xD], $0x80, v3, vm0, $0xb8;
	[tilespmem:$0x1CC00] =	vst v63  }
0x145: {  	_ =	swait.ge [sflag:s12], $0x4000  }
0x146: {  	[sflag:s12] =	ssyncset.done $0x0  }
0x147: {  	s11 =	simm.s32 $0x7;
	s13 =	rddreg [dreg:$0xe];
	[sflag:s12] =	ssyncadd.s32 $0xFFFFC000  }
0x148: {  	[tilespmem:s7], [sflag:$0x2] =	stream.linear.gather [hbm4b:s13+s3], $0x4000, $0x38;
	[tilespmem:$0x1CC00] =	vst v63  }
0x149: {  	_ =	swait.ge [sflag:s11], $0x4000  }
0x14a: {  	[sflag:s11] =	ssyncset.done $0x0  }
0x14b: {  	[sflag:s11] =	ssyncadd.s32 $0xFFFFC000  }
0x14c: {  	v3 =	vld [tilespmem:$0x1C700];
	_ =	sdelay $0x4  }
0x14d: {  	v44 =	vshll.u32 v3, $0x2  }
0x14e: {  	v3 =	vand.u32 $0x7, v3;
	v4 =	vand.u32 $0xFFFFFFE0, v44  }
0x14f: {  	v3 =	vor.u32 v3, v4  }
0x150: {  	v4 =	vperm.xlane v3, v0;
	_ =	sdelay $0x1  }
0x151: {  	v4 =	vadd.s32 v1, v4;
	_ =	sdelay $0x1  }
0x152: {  	v3 =	vperm.xlane v3, v2;
	_ =	sdelay $0x1  }
0x153: {  	v3 =	vadd.s32 v1, v3  }
0x154: {  	[hbm4b:s2+s3] =	stream.indirect_vreg.scatter [tilespmem:s29], [sflag:$0xE], $0x80, v4, vm0, $0xb8;
	[tilespmem:$0x1CC00] =	vst v63  }
0x155: {  	s13 =	simm.s32 $0x18800  }
0x156: {  	[hbm4b:s5+s3] =	stream.indirect_vreg.scatter [tilespmem:s13], [sflag:$0xE], $0x80, v4, vm0, $0xb8;
	[tilespmem:$0x1CC00] =	vst v63  }
0x157: {  	s21 =	simm.s32 $0x19000  }
0x158: {  	[hbm4b:s2+s3] =	stream.indirect_vreg.scatter [tilespmem:s21], [sflag:$0xE], $0x80, v3, vm0, $0xb8;
	[tilespmem:$0x1CC00] =	vst v63  }
0x159: {  	s21 =	simm.s32 $0x19800  }
0x15a: {  	[hbm4b:s5+s3] =	stream.indirect_vreg.scatter [tilespmem:s21], [sflag:$0xE], $0x80, v3, vm0, $0xb8;
	[tilespmem:$0x1CC00] =	vst v63  }
0x15b: {  	v3 =	vld [tilespmem:$0x1C710];
	_ =	sdelay $0x4  }
0x15c: {  	v45 =	vshll.u32 v3, $0x2  }
0x15d: {  	v3 =	vand.u32 $0x7, v3;
	v4 =	vand.u32 $0xFFFFFFE0, v45  }
0x15e: {  	v3 =	vor.u32 v3, v4  }
0x15f: {  	v4 =	vperm.xlane v3, v0;
	_ =	sdelay $0x1  }
0x160: {  	v4 =	vadd.s32 v1, v4;
	_ =	sdelay $0x1  }
0x161: {  	v3 =	vperm.xlane v3, v2;
	_ =	sdelay $0x1  }
0x162: {  	s21 =	simm.s32 $0x1A000;
	v3 =	vadd.s32 v1, v3  }
0x163: {  	[hbm4b:s2+s3] =	stream.indirect_vreg.scatter [tilespmem:s21], [sflag:$0xE], $0x80, v4, vm0, $0xb8;
	[tilespmem:$0x1CC00] =	vst v63  }
0x164: {  	s21 =	simm.s32 $0x1A800  }
0x165: {  	[hbm4b:s5+s3] =	stream.indirect_vreg.scatter [tilespmem:s21], [sflag:$0xE], $0x80, v4, vm0, $0xb8;
	[tilespmem:$0x1CC00] =	vst v63  }
0x166: {  	s21 =	simm.s32 $0x1B000  }
0x167: {  	[hbm4b:s2+s3] =	stream.indirect_vreg.scatter [tilespmem:s21], [sflag:$0xE], $0x80, v3, vm0, $0xb8;
	[tilespmem:$0x1CC00] =	vst v63  }
0x168: {  	s13 =	simm.s32 $0xA;
	s21 =	simm.s32 $0x1B800  }
0x169: {  	[hbm4b:s5+s3] =	stream.indirect_vreg.scatter [tilespmem:s21], [sflag:$0xE], $0x80, v3, vm0, $0xb8;
	[tilespmem:$0x1CC00] =	vst v63  }
0x16a: {  	_ =	swait.ge [sflag:s13], $0x4000  }
0x16b: {  	[sflag:s13] =	ssyncset.done $0x0  }
0x16c: {  	s21 =	rddreg [dreg:$0xf];
	[sflag:s13] =	ssyncadd.s32 $0xFFFFC000  }
0x16d: {  	[tilespmem:s18], [sflag:$0x3] =	stream.linear.gather [hbm4b:s21+s3], $0x4000, $0x38;
	[tilespmem:$0x1CC00] =	vst v63  }
0x16e: {  	_ =	swait.ge [sflag:s19], $0x4000  }
0x16f: {  	[sflag:s19] =	ssyncset.done $0x0  }
0x170: {  	[sflag:s19] =	ssyncadd.s32 $0xFFFFC000  }
0x171: {  	v3 =	vld [tilespmem:$0x1C780];
	_ =	sdelay $0x4  }
0x172: {  	v46 =	vshll.u32 v3, $0x2  }
0x173: {  	v3 =	vand.u32 $0x7, v3;
	v4 =	vand.u32 $0xFFFFFFE0, v46  }
0x174: {  	v3 =	vor.u32 v3, v4  }
0x175: {  	v4 =	vperm.xlane v3, v0;
	_ =	sdelay $0x1  }
0x176: {  	v4 =	vadd.s32 v1, v4;
	_ =	sdelay $0x1  }
0x177: {  	v3 =	vperm.xlane v3, v2;
	_ =	sdelay $0x1  }
0x178: {  	v3 =	vadd.s32 v1, v3  }
0x179: {  	[hbm4b:s2+s3] =	stream.indirect_vreg.scatter [tilespmem:s3], [sflag:$0x8], $0x80, v4, vm0, $0xb8;
	[tilespmem:$0x1CC00] =	vst v63  }
0x17a: {  	s21 =	simm.s32 $0x800  }
0x17b: {  	[hbm4b:s5+s3] =	stream.indirect_vreg.scatter [tilespmem:s21], [sflag:$0x8], $0x80, v4, vm0, $0xb8;
	[tilespmem:$0x1CC00] =	vst v63  }
0x17c: {  	s21 =	simm.s32 $0x1000  }
0x17d: {  	[hbm4b:s2+s3] =	stream.indirect_vreg.scatter [tilespmem:s21], [sflag:$0x8], $0x80, v3, vm0, $0xb8;
	[tilespmem:$0x1CC00] =	vst v63  }
0x17e: {  	s21 =	simm.s32 $0x1800  }
0x17f: {  	[hbm4b:s5+s3] =	stream.indirect_vreg.scatter [tilespmem:s21], [sflag:$0x8], $0x80, v3, vm0, $0xb8;
	[tilespmem:$0x1CC00] =	vst v63  }
0x180: {  	v3 =	vld [tilespmem:$0x1C790];
	_ =	sdelay $0x4  }
0x181: {  	v47 =	vshll.u32 v3, $0x2  }
0x182: {  	v3 =	vand.u32 $0x7, v3;
	v4 =	vand.u32 $0xFFFFFFE0, v47  }
0x183: {  	v3 =	vor.u32 v3, v4  }
0x184: {  	v4 =	vperm.xlane v3, v0;
	_ =	sdelay $0x1  }
0x185: {  	v4 =	vadd.s32 v1, v4;
	_ =	sdelay $0x1  }
0x186: {  	v3 =	vperm.xlane v3, v2;
	_ =	sdelay $0x1  }
0x187: {  	s21 =	simm.s32 $0x2000;
	v3 =	vadd.s32 v1, v3  }
0x188: {  	[hbm4b:s2+s3] =	stream.indirect_vreg.scatter [tilespmem:s21], [sflag:$0x8], $0x80, v4, vm0, $0xb8;
	[tilespmem:$0x1CC00] =	vst v63  }
0x189: {  	s21 =	simm.s32 $0x2800  }
0x18a: {  	[hbm4b:s5+s3] =	stream.indirect_vreg.scatter [tilespmem:s21], [sflag:$0x8], $0x80, v4, vm0, $0xb8;
	[tilespmem:$0x1CC00] =	vst v63  }
0x18b: {  	s21 =	simm.s32 $0x3000  }
0x18c: {  	[hbm4b:s2+s3] =	stream.indirect_vreg.scatter [tilespmem:s21], [sflag:$0x8], $0x80, v3, vm0, $0xb8;
	[tilespmem:$0x1CC00] =	vst v63  }
0x18d: {  	s26 =	simm.s32 $0x3800;
	s18 =	simm.s32 $0xB  }
0x18e: {  	[hbm4b:s5+s3] =	stream.indirect_vreg.scatter [tilespmem:s26], [sflag:$0x8], $0x80, v3, vm0, $0xb8;
	[tilespmem:$0x1CC00] =	vst v63  }
0x18f: {  	_ =	swait.ge [sflag:s18], $0x4000  }
0x190: {  	[sflag:s18] =	ssyncset.done $0x0  }
0x191: {  	s26 =	rddreg [dreg:$0x10];
	[sflag:s18] =	ssyncadd.s32 $0xFFFFC000  }
0x192: {  	[tilespmem:s0], [sflag:$0x4] =	stream.linear.gather [hbm4b:s26+s3], $0x4000, $0x38;
	[tilespmem:$0x1CC00] =	vst v63  }
0x193: {  	_ =	swait.ge [sflag:s4], $0x4000  }
0x194: {  	[sflag:s4] =	ssyncset.done $0x0  }
0x195: {  	[sflag:s4] =	ssyncadd.s32 $0xFFFFC000  }
0x196: {  	v3 =	vld [tilespmem:$0x1C800];
	_ =	sdelay $0x4  }
0x197: {  	v48 =	vshll.u32 v3, $0x2  }
0x198: {  	v3 =	vand.u32 $0x7, v3;
	v4 =	vand.u32 $0xFFFFFFE0, v48  }
0x199: {  	v3 =	vor.u32 v3, v4  }
0x19a: {  	v4 =	vperm.xlane v3, v0;
	_ =	sdelay $0x1  }
0x19b: {  	v4 =	vadd.s32 v1, v4;
	_ =	sdelay $0x1  }
0x19c: {  	v3 =	vperm.xlane v3, v2;
	_ =	sdelay $0x1  }
0x19d: {  	s7 =	simm.s32 $0x4000;
	v3 =	vadd.s32 v1, v3  }
0x19e: {  	[hbm4b:s2+s3] =	stream.indirect_vreg.scatter [tilespmem:s7], [sflag:$0x9], $0x80, v4, vm0, $0xb8;
	[tilespmem:$0x1CC00] =	vst v63  }
0x19f: {  	s26 =	simm.s32 $0x4800  }
0x1a0: {  	[hbm4b:s5+s3] =	stream.indirect_vreg.scatter [tilespmem:s26], [sflag:$0x9], $0x80, v4, vm0, $0xb8;
	[tilespmem:$0x1CC00] =	vst v63  }
0x1a1: {  	s26 =	simm.s32 $0x5000  }
0x1a2: {  	[hbm4b:s2+s3] =	stream.indirect_vreg.scatter [tilespmem:s26], [sflag:$0x9], $0x80, v3, vm0, $0xb8;
	[tilespmem:$0x1CC00] =	vst v63  }
0x1a3: {  	s26 =	simm.s32 $0x5800  }
0x1a4: {  	[hbm4b:s5+s3] =	stream.indirect_vreg.scatter [tilespmem:s26], [sflag:$0x9], $0x80, v3, vm0, $0xb8;
	[tilespmem:$0x1CC00] =	vst v63  }
0x1a5: {  	v3 =	vld [tilespmem:$0x1C810];
	_ =	sdelay $0x4  }
0x1a6: {  	v49 =	vshll.u32 v3, $0x2  }
0x1a7: {  	v3 =	vand.u32 $0x7, v3;
	v4 =	vand.u32 $0xFFFFFFE0, v49  }
0x1a8: {  	v3 =	vor.u32 v3, v4  }
0x1a9: {  	v4 =	vperm.xlane v3, v0;
	_ =	sdelay $0x1  }
0x1aa: {  	v4 =	vadd.s32 v1, v4;
	_ =	sdelay $0x1  }
0x1ab: {  	v3 =	vperm.xlane v3, v2;
	_ =	sdelay $0x1  }
0x1ac: {  	s26 =	simm.s32 $0x6000;
	v3 =	vadd.s32 v1, v3  }
0x1ad: {  	[hbm4b:s2+s3] =	stream.indirect_vreg.scatter [tilespmem:s26], [sflag:$0x9], $0x80, v4, vm0, $0xb8;
	[tilespmem:$0x1CC00] =	vst v63  }
0x1ae: {  	s26 =	simm.s32 $0x6800  }
0x1af: {  	[hbm4b:s5+s3] =	stream.indirect_vreg.scatter [tilespmem:s26], [sflag:$0x9], $0x80, v4, vm0, $0xb8;
	[tilespmem:$0x1CC00] =	vst v63  }
0x1b0: {  	s26 =	simm.s32 $0x7000  }
0x1b1: {  	[hbm4b:s2+s3] =	stream.indirect_vreg.scatter [tilespmem:s26], [sflag:$0x9], $0x80, v3, vm0, $0xb8;
	[tilespmem:$0x1CC00] =	vst v63  }
0x1b2: {  	s26 =	simm.s32 $0x7800  }
0x1b3: {  	[hbm4b:s5+s3] =	stream.indirect_vreg.scatter [tilespmem:s26], [sflag:$0x9], $0x80, v3, vm0, $0xb8;
	[tilespmem:$0x1CC00] =	vst v63  }
0x1b4: {  	s26 =	simm.s32 $0xC  }
0x1b5: {  	_ =	swait.ge [sflag:s26], $0x4000  }
0x1b6: {  	[sflag:s26] =	ssyncset.done $0x0  }
0x1b7: {  	s21 =	rddreg [dreg:$0x11];
	[sflag:s26] =	ssyncadd.s32 $0xFFFFC000  }
0x1b8: {  	[tilespmem:s14], [sflag:$0x5] =	stream.linear.gather [hbm4b:s21+s3], $0x4000, $0x38;
	[tilespmem:$0x1CC00] =	vst v63  }
0x1b9: {  	_ =	swait.ge [sflag:s15], $0x4000  }
0x1ba: {  	[sflag:s15] =	ssyncset.done $0x0  }
0x1bb: {  	[sflag:s15] =	ssyncadd.s32 $0xFFFFC000  }
0x1bc: {  	v3 =	vld [tilespmem:$0x1C880];
	_ =	sdelay $0x4  }
0x1bd: {  	v50 =	vshll.u32 v3, $0x2  }
0x1be: {  	v3 =	vand.u32 $0x7, v3;
	v4 =	vand.u32 $0xFFFFFFE0, v50  }
0x1bf: {  	v3 =	vor.u32 v3, v4  }
0x1c0: {  	v4 =	vperm.xlane v3, v0;
	_ =	sdelay $0x1  }
0x1c1: {  	v4 =	vadd.s32 v1, v4;
	_ =	sdelay $0x1  }
0x1c2: {  	v3 =	vperm.xlane v3, v2;
	_ =	sdelay $0x1  }
0x1c3: {  	v3 =	vadd.s32 v1, v3  }
0x1c4: {  	[hbm4b:s2+s3] =	stream.indirect_vreg.scatter [tilespmem:s30], [sflag:$0xA], $0x80, v4, vm0, $0xb8;
	[tilespmem:$0x1CC00] =	vst v63  }
0x1c5: {  	_ = 	snop  }
0x1c6: {  	[hbm4b:s5+s3] =	stream.indirect_vreg.scatter [tilespmem:s16], [sflag:$0xA], $0x80, v4, vm0, $0xb8;
	[tilespmem:$0x1CC00] =	vst v63  }
0x1c7: {  	_ = 	snop  }
0x1c8: {  	[hbm4b:s2+s3] =	stream.indirect_vreg.scatter [tilespmem:s17], [sflag:$0xA], $0x80, v3, vm0, $0xb8;
	[tilespmem:$0x1CC00] =	vst v63  }
0x1c9: {  	_ = 	snop  }
0x1ca: {  	[hbm4b:s5+s3] =	stream.indirect_vreg.scatter [tilespmem:s20], [sflag:$0xA], $0x80, v3, vm0, $0xb8;
	[tilespmem:$0x1CC00] =	vst v63  }
0x1cb: {  	v3 =	vld [tilespmem:$0x1C890];
	_ =	sdelay $0x4  }
0x1cc: {  	v51 =	vshll.u32 v3, $0x2  }
0x1cd: {  	v3 =	vand.u32 $0x7, v3;
	v4 =	vand.u32 $0xFFFFFFE0, v51  }
0x1ce: {  	v3 =	vor.u32 v3, v4  }
0x1cf: {  	v4 =	vperm.xlane v3, v0;
	_ =	sdelay $0x1  }
0x1d0: {  	v4 =	vadd.s32 v1, v4;
	_ =	sdelay $0x1  }
0x1d1: {  	v3 =	vperm.xlane v3, v2;
	_ =	sdelay $0x1  }
0x1d2: {  	v3 =	vadd.s32 v1, v3  }
0x1d3: {  	[hbm4b:s2+s3] =	stream.indirect_vreg.scatter [tilespmem:s1], [sflag:$0xA], $0x80, v4, vm0, $0xb8;
	[tilespmem:$0x1CC00] =	vst v63  }
0x1d4: {  	_ = 	snop  }
0x1d5: {  	[hbm4b:s5+s3] =	stream.indirect_vreg.scatter [tilespmem:s22], [sflag:$0xA], $0x80, v4, vm0, $0xb8;
	[tilespmem:$0x1CC00] =	vst v63  }
0x1d6: {  	_ = 	snop  }
0x1d7: {  	[hbm4b:s2+s3] =	stream.indirect_vreg.scatter [tilespmem:s8], [sflag:$0xA], $0x80, v3, vm0, $0xb8;
	[tilespmem:$0x1CC00] =	vst v63  }
0x1d8: {  	s1 =	simm.s32 $0xD  }
0x1d9: {  	[hbm4b:s5+s3] =	stream.indirect_vreg.scatter [tilespmem:s10], [sflag:$0xA], $0x80, v3, vm0, $0xb8;
	[tilespmem:$0x1CC00] =	vst v63  }
0x1da: {  	_ =	swait.ge [sflag:s1], $0x4000  }
0x1db: {  	[sflag:s1] =	ssyncset.done $0x0  }
0x1dc: {  	s8 =	rddreg [dreg:$0x12];
	[sflag:s1] =	ssyncadd.s32 $0xFFFFC000  }
0x1dd: {  	[tilespmem:s24], [sflag:$0x6] =	stream.linear.gather [hbm4b:s8+s3], $0x4000, $0x38;
	[tilespmem:$0x1CC00] =	vst v63  }
0x1de: {  	_ =	swait.ge [sflag:s25], $0x4000  }
0x1df: {  	[sflag:s25] =	ssyncset.done $0x0  }
0x1e0: {  	[sflag:s25] =	ssyncadd.s32 $0xFFFFC000  }
0x1e1: {  	v3 =	vld [tilespmem:$0x1C900];
	_ =	sdelay $0x4  }
0x1e2: {  	v52 =	vshll.u32 v3, $0x2  }
0x1e3: {  	v3 =	vand.u32 $0x7, v3;
	v4 =	vand.u32 $0xFFFFFFE0, v52  }
0x1e4: {  	v3 =	vor.u32 v3, v4  }
0x1e5: {  	v4 =	vperm.xlane v3, v0;
	_ =	sdelay $0x1  }
0x1e6: {  	v4 =	vadd.s32 v1, v4;
	_ =	sdelay $0x1  }
0x1e7: {  	v3 =	vperm.xlane v3, v2;
	_ =	sdelay $0x1  }
0x1e8: {  	v3 =	vadd.s32 v1, v3  }
0x1e9: {  	[hbm4b:s2+s3] =	stream.indirect_vreg.scatter [tilespmem:s0], [sflag:$0xB], $0x80, v4, vm0, $0xb8;
	[tilespmem:$0x1CC00] =	vst v63  }
0x1ea: {  	s22 =	simm.s32 $0xC800  }
0x1eb: {  	[hbm4b:s5+s3] =	stream.indirect_vreg.scatter [tilespmem:s22], [sflag:$0xB], $0x80, v4, vm0, $0xb8;
	[tilespmem:$0x1CC00] =	vst v63  }
0x1ec: {  	s8 =	simm.s32 $0xD000  }
0x1ed: {  	[hbm4b:s2+s3] =	stream.indirect_vreg.scatter [tilespmem:s8], [sflag:$0xB], $0x80, v3, vm0, $0xb8;
	[tilespmem:$0x1CC00] =	vst v63  }
0x1ee: {  	s21 =	simm.s32 $0xD800  }
0x1ef: {  	[hbm4b:s5+s3] =	stream.indirect_vreg.scatter [tilespmem:s21], [sflag:$0xB], $0x80, v3, vm0, $0xb8;
	[tilespmem:$0x1CC00] =	vst v63  }
0x1f0: {  	v3 =	vld [tilespmem:$0x1C910];
	_ =	sdelay $0x4  }
0x1f1: {  	v53 =	vshll.u32 v3, $0x2  }
0x1f2: {  	v3 =	vand.u32 $0x7, v3;
	v4 =	vand.u32 $0xFFFFFFE0, v53  }
0x1f3: {  	v3 =	vor.u32 v3, v4  }
0x1f4: {  	v4 =	vperm.xlane v3, v0;
	_ =	sdelay $0x1  }
0x1f5: {  	v4 =	vadd.s32 v1, v4;
	_ =	sdelay $0x1  }
0x1f6: {  	v3 =	vperm.xlane v3, v2;
	_ =	sdelay $0x1  }
0x1f7: {  	s22 =	simm.s32 $0xE000;
	v3 =	vadd.s32 v1, v3  }
0x1f8: {  	[hbm4b:s2+s3] =	stream.indirect_vreg.scatter [tilespmem:s22], [sflag:$0xB], $0x80, v4, vm0, $0xb8;
	[tilespmem:$0x1CC00] =	vst v63  }
0x1f9: {  	s8 =	simm.s32 $0xE800  }
0x1fa: {  	[hbm4b:s5+s3] =	stream.indirect_vreg.scatter [tilespmem:s8], [sflag:$0xB], $0x80, v4, vm0, $0xb8;
	[tilespmem:$0x1CC00] =	vst v63  }
0x1fb: {  	s21 =	simm.s32 $0xF000  }
0x1fc: {  	[hbm4b:s2+s3] =	stream.indirect_vreg.scatter [tilespmem:s21], [sflag:$0xB], $0x80, v3, vm0, $0xb8;
	[tilespmem:$0x1CC00] =	vst v63  }
0x1fd: {  	s0 =	simm.s32 $0xE  }
0x1fe: {  	[hbm4b:s5+s3] =	stream.indirect_vreg.scatter [tilespmem:s23], [sflag:$0xB], $0x80, v3, vm0, $0xb8;
	[tilespmem:$0x1CC00] =	vst v63  }
0x1ff: {  	_ =	swait.ge [sflag:s0], $0x4000  }
0x200: {  	[sflag:s0] =	ssyncset.done $0x0  }
0x201: {  	s22 =	rddreg [dreg:$0x13];
	[sflag:s0] =	ssyncadd.s32 $0xFFFFC000  }
0x202: {  	[tilespmem:s29], [sflag:$0x7] =	stream.linear.gather [hbm4b:s22+s3], $0x4000, $0x38;
	[tilespmem:$0x1CC00] =	vst v63  }
0x203: {  	_ =	swait.ge [sflag:s28], $0x4000  }
0x204: {  	[sflag:s28] =	ssyncset.done $0x0  }
0x205: {  	[sflag:s28] =	ssyncadd.s32 $0xFFFFC000  }
0x206: {  	v3 =	vld [tilespmem:$0x1C980];
	_ =	sdelay $0x4  }
0x207: {  	v54 =	vshll.u32 v3, $0x2  }
0x208: {  	v3 =	vand.u32 $0x7, v3;
	v4 =	vand.u32 $0xFFFFFFE0, v54  }
0x209: {  	v3 =	vor.u32 v3, v4  }
0x20a: {  	v4 =	vperm.xlane v3, v0;
	_ =	sdelay $0x1  }
0x20b: {  	v4 =	vadd.s32 v1, v4;
	_ =	sdelay $0x1  }
0x20c: {  	v3 =	vperm.xlane v3, v2;
	_ =	sdelay $0x1  }
0x20d: {  	v3 =	vadd.s32 v1, v3  }
0x20e: {  	[hbm4b:s2+s3] =	stream.indirect_vreg.scatter [tilespmem:s14], [sflag:$0xC], $0x80, v4, vm0, $0xb8;
	[tilespmem:$0x1CC00] =	vst v63  }
0x20f: {  	s23 =	simm.s32 $0x10800  }
0x210: {  	[hbm4b:s5+s3] =	stream.indirect_vreg.scatter [tilespmem:s23], [sflag:$0xC], $0x80, v4, vm0, $0xb8;
	[tilespmem:$0x1CC00] =	vst v63  }
0x211: {  	s21 =	simm.s32 $0x11000  }
0x212: {  	[hbm4b:s2+s3] =	stream.indirect_vreg.scatter [tilespmem:s21], [sflag:$0xC], $0x80, v3, vm0, $0xb8;
	[tilespmem:$0x1CC00] =	vst v63  }
0x213: {  	s22 =	simm.s32 $0x11800  }
0x214: {  	[hbm4b:s5+s3] =	stream.indirect_vreg.scatter [tilespmem:s22], [sflag:$0xC], $0x80, v3, vm0, $0xb8;
	[tilespmem:$0x1CC00] =	vst v63  }
0x215: {  	v3 =	vld [tilespmem:$0x1C990];
	_ =	sdelay $0x4  }
0x216: {  	v55 =	vshll.u32 v3, $0x2  }
0x217: {  	v3 =	vand.u32 $0x7, v3;
	v4 =	vand.u32 $0xFFFFFFE0, v55  }
0x218: {  	v3 =	vor.u32 v3, v4  }
0x219: {  	v4 =	vperm.xlane v3, v0;
	_ =	sdelay $0x1  }
0x21a: {  	v4 =	vadd.s32 v1, v4;
	_ =	sdelay $0x1  }
0x21b: {  	v3 =	vperm.xlane v3, v2;
	_ =	sdelay $0x1  }
0x21c: {  	s23 =	simm.s32 $0x12000;
	v3 =	vadd.s32 v1, v3  }
0x21d: {  	[hbm4b:s2+s3] =	stream.indirect_vreg.scatter [tilespmem:s23], [sflag:$0xC], $0x80, v4, vm0, $0xb8;
	[tilespmem:$0x1CC00] =	vst v63  }
0x21e: {  	s21 =	simm.s32 $0x12800  }
0x21f: {  	[hbm4b:s5+s3] =	stream.indirect_vreg.scatter [tilespmem:s21], [sflag:$0xC], $0x80, v4, vm0, $0xb8;
	[tilespmem:$0x1CC00] =	vst v63  }
0x220: {  	s22 =	simm.s32 $0x13000  }
0x221: {  	[hbm4b:s2+s3] =	stream.indirect_vreg.scatter [tilespmem:s22], [sflag:$0xC], $0x80, v3, vm0, $0xb8;
	[tilespmem:$0x1CC00] =	vst v63  }
0x222: {  	s23 =	simm.s32 $0x13800  }
0x223: {  	[hbm4b:s5+s3] =	stream.indirect_vreg.scatter [tilespmem:s23], [sflag:$0xC], $0x80, v3, vm0, $0xb8;
	[tilespmem:$0x1CC00] =	vst v63  }
0x224: {  	_ =	swait.ge [sflag:s31], $0x4000  }
0x225: {  	[sflag:s31] =	ssyncset.done $0x0  }
0x226: {  	s8 =	rddreg [dreg:$0x14];
	[sflag:s31] =	ssyncadd.s32 $0xFFFFC000  }
0x227: {  	[tilespmem:s3], [sflag:$0x1] =	stream.linear.gather [hbm4b:s8+s3], $0x4000, $0x38;
	[tilespmem:$0x1CC00] =	vst v63  }
0x228: {  	_ =	swait.ge [sflag:s9], $0x4000  }
0x229: {  	[sflag:s9] =	ssyncset.done $0x0  }
0x22a: {  	[sflag:s9] =	ssyncadd.s32 $0xFFFFC000  }
0x22b: {  	v3 =	vld [tilespmem:$0x1CA00];
	_ =	sdelay $0x4  }
0x22c: {  	v56 =	vshll.u32 v3, $0x2  }
0x22d: {  	v3 =	vand.u32 $0x7, v3;
	v4 =	vand.u32 $0xFFFFFFE0, v56  }
0x22e: {  	v3 =	vor.u32 v3, v4  }
0x22f: {  	v4 =	vperm.xlane v3, v0;
	_ =	sdelay $0x1  }
0x230: {  	v4 =	vadd.s32 v1, v4;
	_ =	sdelay $0x1  }
0x231: {  	v3 =	vperm.xlane v3, v2;
	_ =	sdelay $0x1  }
0x232: {  	v3 =	vadd.s32 v1, v3  }
0x233: {  	[hbm4b:s2+s3] =	stream.indirect_vreg.scatter [tilespmem:s24], [sflag:$0xD], $0x80, v4, vm0, $0xb8;
	[tilespmem:$0x1CC00] =	vst v63  }
0x234: {  	s21 =	simm.s32 $0x14800  }
0x235: {  	[hbm4b:s5+s3] =	stream.indirect_vreg.scatter [tilespmem:s21], [sflag:$0xD], $0x80, v4, vm0, $0xb8;
	[tilespmem:$0x1CC00] =	vst v63  }
0x236: {  	s22 =	simm.s32 $0x15000  }
0x237: {  	[hbm4b:s2+s3] =	stream.indirect_vreg.scatter [tilespmem:s22], [sflag:$0xD], $0x80, v3, vm0, $0xb8;
	[tilespmem:$0x1CC00] =	vst v63  }
0x238: {  	s23 =	simm.s32 $0x15800  }
0x239: {  	[hbm4b:s5+s3] =	stream.indirect_vreg.scatter [tilespmem:s23], [sflag:$0xD], $0x80, v3, vm0, $0xb8;
	[tilespmem:$0x1CC00] =	vst v63  }
0x23a: {  	v3 =	vld [tilespmem:$0x1CA10];
	_ =	sdelay $0x4  }
0x23b: {  	v57 =	vshll.u32 v3, $0x2  }
0x23c: {  	v3 =	vand.u32 $0x7, v3;
	v4 =	vand.u32 $0xFFFFFFE0, v57  }
0x23d: {  	v3 =	vor.u32 v3, v4  }
0x23e: {  	v4 =	vperm.xlane v3, v0;
	_ =	sdelay $0x1  }
0x23f: {  	v4 =	vadd.s32 v1, v4;
	_ =	sdelay $0x1  }
0x240: {  	v3 =	vperm.xlane v3, v2;
	_ =	sdelay $0x1  }
0x241: {  	s9 =	simm.s32 $0x16000;
	v3 =	vadd.s32 v1, v3  }
0x242: {  	[hbm4b:s2+s3] =	stream.indirect_vreg.scatter [tilespmem:s9], [sflag:$0xD], $0x80, v4, vm0, $0xb8;
	[tilespmem:$0x1CC00] =	vst v63  }
0x243: {  	s21 =	simm.s32 $0x16800  }
0x244: {  	[hbm4b:s5+s3] =	stream.indirect_vreg.scatter [tilespmem:s21], [sflag:$0xD], $0x80, v4, vm0, $0xb8;
	[tilespmem:$0x1CC00] =	vst v63  }
0x245: {  	s22 =	simm.s32 $0x17000  }
0x246: {  	[hbm4b:s2+s3] =	stream.indirect_vreg.scatter [tilespmem:s22], [sflag:$0xD], $0x80, v3, vm0, $0xb8;
	[tilespmem:$0x1CC00] =	vst v63  }
0x247: {  	s23 =	simm.s32 $0x17800  }
0x248: {  	[hbm4b:s5+s3] =	stream.indirect_vreg.scatter [tilespmem:s23], [sflag:$0xD], $0x80, v3, vm0, $0xb8;
	[tilespmem:$0x1CC00] =	vst v63  }
0x249: {  	_ =	swait.ge [sflag:s12], $0x4000  }
0x24a: {  	[sflag:s12] =	ssyncset.done $0x0  }
0x24b: {  	s9 =	rddreg [dreg:$0x15];
	[sflag:s12] =	ssyncadd.s32 $0xFFFFC000  }
0x24c: {  	[tilespmem:s7], [sflag:$0x2] =	stream.linear.gather [hbm4b:s9+s3], $0x4000, $0x38;
	[tilespmem:$0x1CC00] =	vst v63  }
0x24d: {  	_ =	swait.ge [sflag:s11], $0x4000  }
0x24e: {  	[sflag:s11] =	ssyncset.done $0x0  }
0x24f: {  	[sflag:s11] =	ssyncadd.s32 $0xFFFFC000  }
0x250: {  	v3 =	vld [tilespmem:$0x1CA80];
	_ =	sdelay $0x4  }
0x251: {  	v58 =	vshll.u32 v3, $0x2  }
0x252: {  	v3 =	vand.u32 $0x7, v3;
	v4 =	vand.u32 $0xFFFFFFE0, v58  }
0x253: {  	v3 =	vor.u32 v3, v4  }
0x254: {  	v4 =	vperm.xlane v3, v0;
	_ =	sdelay $0x1  }
0x255: {  	v4 =	vadd.s32 v1, v4;
	_ =	sdelay $0x1  }
0x256: {  	v3 =	vperm.xlane v3, v2;
	_ =	sdelay $0x1  }
0x257: {  	v3 =	vadd.s32 v1, v3  }
0x258: {  	[hbm4b:s2+s3] =	stream.indirect_vreg.scatter [tilespmem:s29], [sflag:$0xE], $0x80, v4, vm0, $0xb8;
	[tilespmem:$0x1CC00] =	vst v63  }
0x259: {  	s11 =	simm.s32 $0x18800  }
0x25a: {  	[hbm4b:s5+s3] =	stream.indirect_vreg.scatter [tilespmem:s11], [sflag:$0xE], $0x80, v4, vm0, $0xb8;
	[tilespmem:$0x1CC00] =	vst v63  }
0x25b: {  	s21 =	simm.s32 $0x19000  }
0x25c: {  	[hbm4b:s2+s3] =	stream.indirect_vreg.scatter [tilespmem:s21], [sflag:$0xE], $0x80, v3, vm0, $0xb8;
	[tilespmem:$0x1CC00] =	vst v63  }
0x25d: {  	s22 =	simm.s32 $0x19800  }
0x25e: {  	[hbm4b:s5+s3] =	stream.indirect_vreg.scatter [tilespmem:s22], [sflag:$0xE], $0x80, v3, vm0, $0xb8;
	[tilespmem:$0x1CC00] =	vst v63  }
0x25f: {  	v3 =	vld [tilespmem:$0x1CA90];
	_ =	sdelay $0x4  }
0x260: {  	v59 =	vshll.u32 v3, $0x2  }
0x261: {  	v3 =	vand.u32 $0x7, v3;
	v4 =	vand.u32 $0xFFFFFFE0, v59  }
0x262: {  	v3 =	vor.u32 v3, v4  }
0x263: {  	v4 =	vperm.xlane v3, v0;
	_ =	sdelay $0x1  }
0x264: {  	v4 =	vadd.s32 v1, v4;
	_ =	sdelay $0x1  }
0x265: {  	v3 =	vperm.xlane v3, v2;
	_ =	sdelay $0x1  }
0x266: {  	s23 =	simm.s32 $0x1A000;
	v3 =	vadd.s32 v1, v3  }
0x267: {  	[hbm4b:s2+s3] =	stream.indirect_vreg.scatter [tilespmem:s23], [sflag:$0xE], $0x80, v4, vm0, $0xb8;
	[tilespmem:$0x1CC00] =	vst v63  }
0x268: {  	s9 =	simm.s32 $0x1A800  }
0x269: {  	[hbm4b:s5+s3] =	stream.indirect_vreg.scatter [tilespmem:s9], [sflag:$0xE], $0x80, v4, vm0, $0xb8;
	[tilespmem:$0x1CC00] =	vst v63  }
0x26a: {  	s11 =	simm.s32 $0x1B000  }
0x26b: {  	[hbm4b:s2+s3] =	stream.indirect_vreg.scatter [tilespmem:s11], [sflag:$0xE], $0x80, v3, vm0, $0xb8;
	[tilespmem:$0x1CC00] =	vst v63  }
0x26c: {  	s21 =	simm.s32 $0x1B800  }
0x26d: {  	[hbm4b:s5+s3] =	stream.indirect_vreg.scatter [tilespmem:s21], [sflag:$0xE], $0x80, v3, vm0, $0xb8;
	[tilespmem:$0x1CC00] =	vst v63  }
0x26e: {  	_ =	swait.ge [sflag:s19], $0x4000  }
0x26f: {  	[sflag:s19] =	ssyncset.done $0x0  }
0x270: {  	[sflag:s19] =	ssyncadd.s32 $0xFFFFC000  }
0x271: {  	v3 =	vld [tilespmem:$0x1CB00];
	_ =	sdelay $0x4  }
0x272: {  	v60 =	vshll.u32 v3, $0x2  }
0x273: {  	v3 =	vand.u32 $0x7, v3;
	v4 =	vand.u32 $0xFFFFFFE0, v60  }
0x274: {  	v3 =	vor.u32 v3, v4  }
0x275: {  	v4 =	vperm.xlane v3, v0;
	_ =	sdelay $0x1  }
0x276: {  	v4 =	vadd.s32 v1, v4;
	_ =	sdelay $0x1  }
0x277: {  	v3 =	vperm.xlane v3, v2;
	_ =	sdelay $0x1  }
0x278: {  	v3 =	vadd.s32 v1, v3  }
0x279: {  	[hbm4b:s2+s3] =	stream.indirect_vreg.scatter [tilespmem:s3], [sflag:$0x8], $0x80, v4, vm0, $0xb8;
	[tilespmem:$0x1CC00] =	vst v63  }
0x27a: {  	s22 =	simm.s32 $0x800  }
0x27b: {  	[hbm4b:s5+s3] =	stream.indirect_vreg.scatter [tilespmem:s22], [sflag:$0x8], $0x80, v4, vm0, $0xb8;
	[tilespmem:$0x1CC00] =	vst v63  }
0x27c: {  	s23 =	simm.s32 $0x1000  }
0x27d: {  	[hbm4b:s2+s3] =	stream.indirect_vreg.scatter [tilespmem:s23], [sflag:$0x8], $0x80, v3, vm0, $0xb8;
	[tilespmem:$0x1CC00] =	vst v63  }
0x27e: {  	s9 =	simm.s32 $0x1800  }
0x27f: {  	[hbm4b:s5+s3] =	stream.indirect_vreg.scatter [tilespmem:s9], [sflag:$0x8], $0x80, v3, vm0, $0xb8;
	[tilespmem:$0x1CC00] =	vst v63  }
0x280: {  	v3 =	vld [tilespmem:$0x1CB10];
	_ =	sdelay $0x4  }
0x281: {  	v61 =	vshll.u32 v3, $0x2  }
0x282: {  	v3 =	vand.u32 $0x7, v3;
	v4 =	vand.u32 $0xFFFFFFE0, v61  }
0x283: {  	v3 =	vor.u32 v3, v4  }
0x284: {  	v4 =	vperm.xlane v3, v0;
	_ =	sdelay $0x1  }
0x285: {  	v4 =	vadd.s32 v1, v4;
	_ =	sdelay $0x1  }
0x286: {  	v3 =	vperm.xlane v3, v2;
	_ =	sdelay $0x1  }
0x287: {  	s11 =	simm.s32 $0x2000;
	v3 =	vadd.s32 v1, v3  }
0x288: {  	[hbm4b:s2+s3] =	stream.indirect_vreg.scatter [tilespmem:s11], [sflag:$0x8], $0x80, v4, vm0, $0xb8;
	[tilespmem:$0x1CC00] =	vst v63  }
0x289: {  	s21 =	simm.s32 $0x2800  }
0x28a: {  	[hbm4b:s5+s3] =	stream.indirect_vreg.scatter [tilespmem:s21], [sflag:$0x8], $0x80, v4, vm0, $0xb8;
	[tilespmem:$0x1CC00] =	vst v63  }
0x28b: {  	s22 =	simm.s32 $0x3000  }
0x28c: {  	[hbm4b:s2+s3] =	stream.indirect_vreg.scatter [tilespmem:s22], [sflag:$0x8], $0x80, v3, vm0, $0xb8;
	[tilespmem:$0x1CC00] =	vst v63  }
0x28d: {  	s23 =	simm.s32 $0x3800  }
0x28e: {  	[hbm4b:s5+s3] =	stream.indirect_vreg.scatter [tilespmem:s23], [sflag:$0x8], $0x80, v3, vm0, $0xb8;
	[tilespmem:$0x1CC00] =	vst v63  }
0x28f: {  	_ =	swait.ge [sflag:s4], $0x4000  }
0x290: {  	[sflag:s4] =	ssyncset.done $0x0  }
0x291: {  	[sflag:s4] =	ssyncadd.s32 $0xFFFFC000  }
0x292: {  	v3 =	vld [tilespmem:$0x1CB80];
	_ =	sdelay $0x4  }
0x293: {  	v62 =	vshll.u32 v3, $0x2  }
0x294: {  	v3 =	vand.u32 $0x7, v3;
	v4 =	vand.u32 $0xFFFFFFE0, v62  }
0x295: {  	v3 =	vor.u32 v3, v4  }
0x296: {  	v4 =	vperm.xlane v3, v0;
	_ =	sdelay $0x1  }
0x297: {  	v4 =	vadd.s32 v1, v4;
	_ =	sdelay $0x1  }
0x298: {  	v3 =	vperm.xlane v3, v2;
	_ =	sdelay $0x1  }
0x299: {  	v3 =	vadd.s32 v1, v3  }
0x29a: {  	[hbm4b:s2+s3] =	stream.indirect_vreg.scatter [tilespmem:s7], [sflag:$0x9], $0x80, v4, vm0, $0xb8;
	[tilespmem:$0x1CC00] =	vst v63  }
0x29b: {  	s7 =	simm.s32 $0x4800  }
0x29c: {  	[hbm4b:s5+s3] =	stream.indirect_vreg.scatter [tilespmem:s7], [sflag:$0x9], $0x80, v4, vm0, $0xb8;
	[tilespmem:$0x1CC00] =	vst v63  }
0x29d: {  	s8 =	simm.s32 $0x5000  }
0x29e: {  	[hbm4b:s2+s3] =	stream.indirect_vreg.scatter [tilespmem:s8], [sflag:$0x9], $0x80, v3, vm0, $0xb8;
	[tilespmem:$0x1CC00] =	vst v63  }
0x29f: {  	s9 =	simm.s32 $0x5800  }
0x2a0: {  	[hbm4b:s5+s3] =	stream.indirect_vreg.scatter [tilespmem:s9], [sflag:$0x9], $0x80, v3, vm0, $0xb8;
	[tilespmem:$0x1CC00] =	vst v63  }
0x2a1: {  	v3 =	vld [tilespmem:$0x1CB90];
	_ =	sdelay $0x4  }
0x2a2: {  	v63 =	vshll.u32 v3, $0x2  }
0x2a3: {  	v3 =	vand.u32 $0x7, v3;
	v4 =	vand.u32 $0xFFFFFFE0, v63  }
0x2a4: {  	v3 =	vor.u32 v3, v4  }
0x2a5: {  	v4 =	vperm.xlane v3, v0;
	_ =	sdelay $0x1  }
0x2a6: {  	v4 =	vadd.s32 v1, v4;
	_ =	sdelay $0x1  }
0x2a7: {  	v3 =	vperm.xlane v3, v2;
	_ =	sdelay $0x1  }
0x2a8: {  	s11 =	simm.s32 $0x6000;
	v3 =	vadd.s32 v1, v3  }
0x2a9: {  	[hbm4b:s2+s3] =	stream.indirect_vreg.scatter [tilespmem:s11], [sflag:$0x9], $0x80, v4, vm0, $0xb8;
	[tilespmem:$0x1CC00] =	vst v63  }
0x2aa: {  	s21 =	simm.s32 $0x6800  }
0x2ab: {  	[hbm4b:s5+s3] =	stream.indirect_vreg.scatter [tilespmem:s21], [sflag:$0x9], $0x80, v4, vm0, $0xb8;
	[tilespmem:$0x1CC00] =	vst v63  }
0x2ac: {  	s22 =	simm.s32 $0x7000  }
0x2ad: {  	[hbm4b:s2+s3] =	stream.indirect_vreg.scatter [tilespmem:s22], [sflag:$0x9], $0x80, v3, vm0, $0xb8;
	[tilespmem:$0x1CC00] =	vst v63  }
0x2ae: {  	s23 =	simm.s32 $0x7800  }
0x2af: {  	[hbm4b:s5+s3] =	stream.indirect_vreg.scatter [tilespmem:s23], [sflag:$0x9], $0x80, v3, vm0, $0xb8;
	[tilespmem:$0x1CC00] =	vst v63  }
0x2b0: {  	_ =	swait.ge [sflag:s13], $0x4000  }
0x2b1: {  	[sflag:s13] =	ssyncset.done $0x0  }
0x2b2: {  	[sflag:s13] =	ssyncadd.s32 $0xFFFFC000  }
0x2b3: {  	_ =	swait.ge [sflag:s18], $0x4000  }
0x2b4: {  	[sflag:s18] =	ssyncset.done $0x0  }
0x2b5: {  	[sflag:s18] =	ssyncadd.s32 $0xFFFFC000  }
0x2b6: {  	_ =	swait.ge [sflag:s26], $0x4000  }
0x2b7: {  	[sflag:s26] =	ssyncset.done $0x0  }
0x2b8: {  	[sflag:s26] =	ssyncadd.s32 $0xFFFFC000  }
0x2b9: {  	_ =	swait.ge [sflag:s1], $0x4000  }
0x2ba: {  	[sflag:s1] =	ssyncset.done $0x0  }
0x2bb: {  	[sflag:s1] =	ssyncadd.s32 $0xFFFFC000  }
0x2bc: {  	_ =	swait.ge [sflag:s0], $0x4000  }
0x2bd: {  	[sflag:s0] =	ssyncset.done $0x0  }
0x2be: {  	[sflag:s0] =	ssyncadd.s32 $0xFFFFC000  }
0x2bf: {  	p0 =	sne.s32 s6, $0x1;
	_ =	swait.ge [sflag:s31], $0x4000  }
.Ltmp0:
0x2c0: {  	[sflag:s31] =	ssyncset.done $0x0;
	(pc) =	sbr.rel @p0 .LBB2_1-.Ltmp0, $4  }
0x2c1: {  	[sflag:s31] =	ssyncadd.s32 $0xFFFFC000  }
0x2c2: {  	_ =	swait.ge [sflag:s12], $0x4000  }
0x2c3: {  	[sflag:s12] =	ssyncset.done $0x0  }
0x2c4: {  	s6 =	sadd.s32 $0xFFFFFFFF, s6;
	[sflag:s12] =	ssyncadd.s32 $0xFFFFC000  }
0x2c5: {  	_ =	sfence.sel $0x180000  }
0x2c6: {  	[bflag:$0x0] =	sbarrier.arrive $0xFFFF  }
0x2c7: {  	_ =	strace $0x90000047  }
0x2c8: {  	s0 =	stileid.u32;
	[bflag:$0x2] =	sbarrier.arrive $0xFFFF  }
0x2c9: {  	p0 =	sne.s32 s0, $0x0;
	s0 =	rddreg [dreg:$0x4]  }
0x2ca: {  	s0 =	sadd.s32 @!p0 $0x100000, s0  }
0x2cb: {  	[sflag:s0] =	ssyncadd.tile.s32 @!p0 $0x1;
	_ =	shalt  }
.Lfunc_end2:
_tile_overlayer_lowered:
.L_overlay_start_2:
0x2cc: {  	(tag) =	ssettag $0x2  }
0x2cd: {  	s0 =	rddreg [dreg:$0x0];
	s2 =	stileid.u32  }
0x2ce: {  	s1 =	rddreg [dreg:$0x1];
	p0 =	sne.s32 s2, $0x0  }
0x2cf: {  	s3 =	rddreg [dreg:$0x2];
	[bflag:$0x3] =	sbarrier.arrive $0xFFFF;
	s2 =	simm.s32 @!p0 $0x1C0F  }
0x2d0: {  	[timem:s3], [sflag:s2] =	dma.local @!p0 [hbm:s0], s1  }
0x2d1: {  	s0 =	simm.s32 @!p0 $0xF  }
0x2d2: {  	_ =	swait.ge @!p0 [sflag:s0], s1  }
0x2d3: {  	s1 =	ssub.s32 @!p0 $0x0, s1;
	[sflag:s0] =	ssyncset.done @!p0 $0x0  }
0x2d4: {  	[sflag:s0] =	ssyncadd.s32 @!p0 s1  }
0x2d5: {  	[bflag:$0x3] =	sbarrier.arrive $0xFFFF  }
0x2d6: {  	_ =	shalt  }

</sc_bundles>
